<compile_context>
chip_gen: v7x
topology: tpu7x:2x2x1
jax: 0.10.2.dev20260603
libtpu: 0.0.44.dev20260713+nightly
codegen_flags: <defaults>
</compile_context>

<pallas_src>
import functools

import jax
import jax.numpy as jnp
from jax import lax
from jax.experimental import pallas as pl
from jax.experimental.pallas import tpu as pltpu
from jax.experimental.pallas import tpu_sc as plsc

N = 10000
E = 160000
D_IN = 256
D_OUT = 256
DH = D_IN // 2
EPS = 1e-5

NC = 2
NS = 16
NPAD = 10240
RPT = NPAD // NS
CHUNK = 128
EPT = 10240
EPAD = EPT * NS
NCHUNK = EPT // CHUNK
NPAIR = NCHUNK // 2
LANES = 16


def _sc_scatter_body(tab_hbm, src_hbm, dst_hbm, ah_hbm, deg_hbm,
                     srcall_v, dst_a, dst_b, rows_a, rows_b, ones_v, zer_v,
                     acc_s, dega_s, sem_a, sem_b):
    c = lax.axis_index("c")
    s = lax.axis_index("s")

    z16 = jnp.zeros((LANES,), jnp.float32)
    o16 = jnp.ones((LANES,), jnp.float32)

    def fill_rows(r, _):
        for j in range(DH // LANES):
            rows_a[r, pl.ds(j * LANES, LANES)] = z16
        return 0
    lax.fori_loop(0, CHUNK, fill_rows, 0)

    def fill_ones(j, _):
        ones_v[pl.ds(j * LANES, LANES)] = o16
        return 0
    lax.fori_loop(0, CHUNK // LANES, fill_ones, 0)

    def fill_zer(j, _):
        zer_v[pl.ds(j * LANES, LANES)] = z16
        return 0
    lax.fori_loop(0, RPT // LANES, fill_zer, 0)

    rbase = s * RPT
    for j in range(RPT // CHUNK):
        pltpu.sync_copy(rows_a, acc_s.at[pl.ds(rbase + j * CHUNK, CHUNK)])
    pltpu.sync_copy(zer_v, dega_s.at[pl.ds(rbase, RPT)])

    pltpu.sync_copy(src_hbm.at[pl.ds(s * EPT, EPT)], srcall_v)
    plsc.subcore_barrier()

    tab_hbm = tab_hbm.at[:, pl.ds(c * DH, DH)]

    ebase = s * EPT

    def issue(i, buf, dbuf, sem):
        pltpu.async_copy(
            tab_hbm.at[srcall_v.at[pl.ds(i * CHUNK, CHUNK)]], buf, sem)
        pltpu.async_copy(dst_hbm.at[pl.ds(ebase + i * CHUNK, CHUNK)],
                         dbuf, sem)

    def drain(buf, dbuf, sem):
        pltpu.make_async_copy(tab_hbm.at[srcall_v.at[pl.ds(0, CHUNK)]],
                              buf, sem).wait()
        pltpu.make_async_copy(dst_hbm.at[pl.ds(0, CHUNK)], dbuf, sem).wait()

    def owned(i):
        return (i < NCHUNK // 2) == (c == 0)

    def scat(i, buf, dbuf):
        pltpu.sync_copy(buf, acc_s.at[dbuf], add=True)

        @pl.when(owned(i))
        def _():
            pltpu.sync_copy(ones_v, dega_s.at[dbuf], add=True)

    issue(0, rows_a, dst_a, sem_a)

    def pair(k, _):
        issue(2 * k + 1, rows_b, dst_b, sem_b)
        drain(rows_a, dst_a, sem_a)
        scat(2 * k, rows_a, dst_a)

        @pl.when(k < NPAIR - 1)
        def _():
            issue(2 * k + 2, rows_a, dst_a, sem_a)

        drain(rows_b, dst_b, sem_b)
        scat(2 * k + 1, rows_b, dst_b)
        return 0

    lax.fori_loop(0, NPAIR, pair, 0)
    plsc.subcore_barrier()

    pltpu.sync_copy(acc_s.at[pl.ds(rbase, RPT)],
                    ah_hbm.at[c, pl.ds(rbase, RPT)])
    pltpu.sync_copy(dega_s.at[pl.ds(rbase, RPT)],
                    deg_hbm.at[c, pl.ds(rbase, RPT)])


_sc_scatter = functools.partial(
    pl.kernel,
    out_type=[
        jax.ShapeDtypeStruct((NC, NPAD, DH), jnp.float32),
        jax.ShapeDtypeStruct((NC, NPAD), jnp.float32),
    ],
    mesh=plsc.VectorSubcoreMesh(core_axis_name="c", subcore_axis_name="s"),
    scratch_types=[
        pltpu.VMEM((EPT,), jnp.int32),
        pltpu.VMEM((CHUNK,), jnp.int32),
        pltpu.VMEM((CHUNK,), jnp.int32),
        pltpu.VMEM((CHUNK, DH), jnp.float32),
        pltpu.VMEM((CHUNK, DH), jnp.float32),
        pltpu.VMEM((CHUNK,), jnp.float32),
        pltpu.VMEM((RPT,), jnp.float32),
        pltpu.VMEM_SHARED((NPAD, DH), jnp.float32),
        pltpu.VMEM_SHARED((NPAD,), jnp.float32),
        pltpu.SemaphoreType.DMA,
        pltpu.SemaphoreType.DMA,
    ],
)(_sc_scatter_body)


ROWS_BLK = 400
GRID = N // ROWS_BLK


def _tc_hpart_body(h_ref, w_ref, o_ref):
    dn = (((1,), (1,)), ((), ()))
    o_ref[...] = lax.dot_general(h_ref[...], w_ref[...][:, :D_IN], dn,
                                 preferred_element_type=jnp.float32)


_tc_hpart = pl.pallas_call(
    _tc_hpart_body,
    grid=(GRID,),
    in_specs=[
        pl.BlockSpec((ROWS_BLK, D_IN), lambda i: (i, 0)),
        pl.BlockSpec((D_OUT, 2 * D_IN), lambda i: (0, 0)),
    ],
    out_specs=pl.BlockSpec((ROWS_BLK, D_OUT), lambda i: (i, 0)),
    out_shape=jax.ShapeDtypeStruct((N, D_OUT), jnp.float32),
)


def _tc_dense_body(p_ref, a0_ref, a1_ref, deg_ref, w_ref, b_ref, g_ref,
                   be_ref, o_ref):
    d = deg_ref[...]
    deg = d[:, :1] + d[:, 1:2]
    norm = jnp.where(deg > 0, 1.0 / jnp.maximum(deg, 1.0), 0.0)
    w = w_ref[...]
    dn = (((1,), (1,)), ((), ()))
    out = p_ref[...]
    out += lax.dot_general(a0_ref[...] * norm, w[:, D_IN:D_IN + DH], dn,
                           preferred_element_type=jnp.float32)
    out += lax.dot_general(a1_ref[...] * norm, w[:, D_IN + DH:], dn,
                           preferred_element_type=jnp.float32)
    out += b_ref[...]
    mean = jnp.mean(out, axis=-1, keepdims=True)
    cent = out - mean
    var = jnp.mean(cent * cent, axis=-1, keepdims=True)
    out = cent / jnp.sqrt(var + EPS) * g_ref[...] + be_ref[...]
    o_ref[...] = jnp.maximum(out, 0.0)


_tc_dense = pl.pallas_call(
    _tc_dense_body,
    grid=(GRID,),
    in_specs=[
        pl.BlockSpec((ROWS_BLK, D_OUT), lambda i: (i, 0)),
        pl.BlockSpec((ROWS_BLK, DH), lambda i: (i, 0)),
        pl.BlockSpec((ROWS_BLK, DH), lambda i: (i, 0)),
        pl.BlockSpec((ROWS_BLK, NC), lambda i: (i, 0)),
        pl.BlockSpec((D_OUT, 2 * D_IN), lambda i: (0, 0)),
        pl.BlockSpec((1, D_OUT), lambda i: (0, 0)),
        pl.BlockSpec((1, D_OUT), lambda i: (0, 0)),
        pl.BlockSpec((1, D_OUT), lambda i: (0, 0)),
    ],
    out_specs=pl.BlockSpec((ROWS_BLK, D_OUT), lambda i: (i, 0)),
    out_shape=jax.ShapeDtypeStruct((N, D_OUT), jnp.float32),
)


def kernel(h, edge_index, W, b, gamma, beta):
    src = edge_index[0]
    dst = edge_index[1]

    npad_e = EPAD - E
    src_p = jnp.concatenate([src, jnp.zeros((npad_e,), jnp.int32)])
    dst_p = jnp.concatenate([dst, jnp.full((npad_e,), N, jnp.int32)])

    ah, deg2 = _sc_scatter(h, src_p, dst_p)
    p = _tc_hpart(h, W)

    return _tc_dense(p, ah[0], ah[1], deg2.T, W, b.reshape(1, D_OUT),
                     gamma.reshape(1, D_OUT), beta.reshape(1, D_OUT))

# --- scband reference (transcript-rebuilt; emitter-appended) ---
"""Pipeline reference for scband-modified-sagelayer-42288247996606 (READ-ONLY COPY).

The authoritative reference and input builder live on the scoring server;
editing this copy changes nothing except your own understanding.
"""

import jax, jax.numpy as jnp
import numpy as np

N = 10000
E = 160000
D_IN = 256
D_OUT = 256
EPS = 1e-5

def setup_inputs(seed: int = 0) -> dict:
    key = jax.random.key(seed)
    k1, k2, k3, k4 = jax.random.split(key, 4)
    h = jax.random.normal(k1, (N, D_IN), dtype=jnp.float32)
    edge_index = jax.random.randint(k2, (2, E), 0, N, dtype=jnp.int32)
    stdv = 1.0 / np.sqrt(2 * D_IN)
    W = jax.random.uniform(k3, (D_OUT, 2 * D_IN), minval=-stdv, maxval=stdv, dtype=jnp.float32)
    b = jax.random.uniform(k4, (D_OUT,), minval=-stdv, maxval=stdv, dtype=jnp.float32)
    gamma = jnp.ones((D_OUT,), dtype=jnp.float32)
    beta = jnp.zeros((D_OUT,), dtype=jnp.float32)
    return {"h": h, "edge_index": edge_index, "W": W, "b": b, "gamma": gamma, "beta": beta}

def reference(h, edge_index, W, b, gamma, beta):
    # Eval-path of ModifiedSAGELayer: copy_src message + sum reduce, then
    # mean-normalize by in-degree, concat, dropout(eval=identity), linear,
    # layernorm, relu.
    src = edge_index[0]
    dst = edge_index[1]
    # message passing: ah[v] = sum_{(u,v) in E} h[u]
    ah = jax.ops.segment_sum(h[src], dst, num_segments=N)
    # norm = 1 / in_degree, with inf -> 0
    deg = jax.ops.segment_sum(jnp.ones((E,), dtype=jnp.float32), dst, num_segments=N)
    norm = jnp.where(deg > 0, 1.0 / jnp.maximum(deg, 1.0), 0.0)[:, None]
    # concat(h, ah * norm)
    hcat = jnp.concatenate([h, ah * norm], axis=1)
    # dropout is identity in eval mode
    out = hcat @ W.T + b
    # layernorm with elementwise affine
    mean = jnp.mean(out, axis=-1, keepdims=True)
    var = jnp.var(out, axis=-1, keepdims=True)
    out = (out - mean) / jnp.sqrt(var + EPS) * gamma + beta
    # activation
    out = jax.nn.relu(out)
    return out

if __name__ == "__main__":
    import jax
    _d = setup_inputs()
    print(jax.jit(kernel)(*tuple(_d.values())))

</pallas_src>

<mosaic_0001>
#map = affine_map<(d0, d1) -> (0, 0)>
#map1 = affine_map<(d0, d1) -> (0)>
#map2 = affine_map<(d0, d1) -> (0, 0, 0)>
module attributes {stable_mosaic.version = 14 : i64} {
  func.func @_sc_scatter_body(%arg0: i32, %arg1: i32, %arg2: memref<10000x256xf32, #tpu.memory_space<hbm>>, %arg3: memref<163840xi32, #tpu.memory_space<hbm>>, %arg4: memref<163840xi32, #tpu.memory_space<hbm>>, %arg5: memref<2x10240x128xf32, #tpu.memory_space<hbm>>, %arg6: memref<2x10240xf32, #tpu.memory_space<hbm>>, %arg7: memref<10240xi32, #tpu.memory_space<vmem>>, %arg8: memref<128xi32, #tpu.memory_space<vmem>>, %arg9: memref<128xi32, #tpu.memory_space<vmem>>, %arg10: memref<128x128xf32, #tpu.memory_space<vmem>>, %arg11: memref<128x128xf32, #tpu.memory_space<vmem>>, %arg12: memref<128xf32, #tpu.memory_space<vmem>>, %arg13: memref<640xf32, #tpu.memory_space<vmem>>, %arg14: memref<10240x128xf32, #tpu.memory_space<vmem_shared>>, %arg15: memref<10240xf32, #tpu.memory_space<vmem_shared>>, %arg16: memref<!tpu.dma_semaphore, #tpu.memory_space<semaphore_mem>>, %arg17: memref<!tpu.dma_semaphore, #tpu.memory_space<semaphore_mem>>) attributes {dimension_semantics = [#tpu.dimension_semantics<core_parallel>, #tpu.dimension_semantics<subcore_parallel>], iteration_bounds = array<i64: 2, 16>, scalar_prefetch = 0 : i64, scratch_operands = 11 : i64, tpu.core_type = #tpu.core_type<sc_vector_subcore>, window_params = [{transform_indices = #map}, {transform_indices = #map1}, {transform_indices = #map1}, {transform_indices = #map2}, {transform_indices = #map}]} {
    %broadcast_in_dim3A = arith.constant 0.000000e+00 : f32
    %broadcast_in_dim3A_0 = vector.broadcast %broadcast_in_dim3A : f32 to vector<16xf32>
    %broadcast_in_dim3A_1 = arith.constant 1.000000e+00 : f32
    %broadcast_in_dim3A_2 = vector.broadcast %broadcast_in_dim3A_1 : f32 to vector<16xf32>
    %scan3A = arith.constant 0 : i32
    %scan3A_3 = arith.constant 0 : i32
    %scan3A_4 = arith.constant 128 : i32
    %scan3A_5 = arith.addi %scan3A_3, %scan3A_4 : i32
    %scan3A_6 = arith.constant 1 : i32
    %scan3A_7 = scf.for %scan3A_57 = %scan3A_3 to %scan3A_5 step %scan3A_6 iter_args(%scan3A_58 = %scan3A) -> (i32)  : i32 {
      %swap3A = arith.index_cast %scan3A_57 : i32 to index
      %swap3A_59 = arith.constant 0 : index
      %swap3A_60 = tpu.vector_load %arg10[%swap3A, %swap3A_59] {strides = array<i32>} : memref<128x128xf32, #tpu.memory_space<vmem>>, vector<1x16xf32>,
      %swap3A_61 = vector.shape_cast %swap3A_60 : vector<1x16xf32> to vector<16xf32>
      %swap3A_62 = vector.shape_cast %broadcast_in_dim3A_0 : vector<16xf32> to vector<1x16xf32>
      tpu.vector_store %arg10[%swap3A, %swap3A_59], %swap3A_62 {strides = array<i32>} : memref<128x128xf32, #tpu.memory_space<vmem>>, vector<1x16xf32>,
      %swap3A_63 = arith.index_cast %scan3A_57 : i32 to index
      %swap3A_64 = arith.constant 16 : index
      %swap3A_65 = tpu.vector_load %arg10[%swap3A_63, %swap3A_64] {strides = array<i32>} : memref<128x128xf32, #tpu.memory_space<vmem>>, vector<1x16xf32>,
      %swap3A_66 = vector.shape_cast %swap3A_65 : vector<1x16xf32> to vector<16xf32>
      %swap3A_67 = vector.shape_cast %broadcast_in_dim3A_0 : vector<16xf32> to vector<1x16xf32>
      tpu.vector_store %arg10[%swap3A_63, %swap3A_64], %swap3A_67 {strides = array<i32>} : memref<128x128xf32, #tpu.memory_space<vmem>>, vector<1x16xf32>,
      %swap3A_68 = arith.index_cast %scan3A_57 : i32 to index
      %swap3A_69 = arith.constant 32 : index
      %swap3A_70 = tpu.vector_load %arg10[%swap3A_68, %swap3A_69] {strides = array<i32>} : memref<128x128xf32, #tpu.memory_space<vmem>>, vector<1x16xf32>,
      %swap3A_71 = vector.shape_cast %swap3A_70 : vector<1x16xf32> to vector<16xf32>
      %swap3A_72 = vector.shape_cast %broadcast_in_dim3A_0 : vector<16xf32> to vector<1x16xf32>
      tpu.vector_store %arg10[%swap3A_68, %swap3A_69], %swap3A_72 {strides = array<i32>} : memref<128x128xf32, #tpu.memory_space<vmem>>, vector<1x16xf32>,
      %swap3A_73 = arith.index_cast %scan3A_57 : i32 to index
      %swap3A_74 = arith.constant 48 : index
      %swap3A_75 = tpu.vector_load %arg10[%swap3A_73, %swap3A_74] {strides = array<i32>} : memref<128x128xf32, #tpu.memory_space<vmem>>, vector<1x16xf32>,
      %swap3A_76 = vector.shape_cast %swap3A_75 : vector<1x16xf32> to vector<16xf32>
      %swap3A_77 = vector.shape_cast %broadcast_in_dim3A_0 : vector<16xf32> to vector<1x16xf32>
      tpu.vector_store %arg10[%swap3A_73, %swap3A_74], %swap3A_77 {strides = array<i32>} : memref<128x128xf32, #tpu.memory_space<vmem>>, vector<1x16xf32>,
      %swap3A_78 = arith.index_cast %scan3A_57 : i32 to index
      %swap3A_79 = arith.constant 64 : index
      %swap3A_80 = tpu.vector_load %arg10[%swap3A_78, %swap3A_79] {strides = array<i32>} : memref<128x128xf32, #tpu.memory_space<vmem>>, vector<1x16xf32>,
      %swap3A_81 = vector.shape_cast %swap3A_80 : vector<1x16xf32> to vector<16xf32>
      %swap3A_82 = vector.shape_cast %broadcast_in_dim3A_0 : vector<16xf32> to vector<1x16xf32>
      tpu.vector_store %arg10[%swap3A_78, %swap3A_79], %swap3A_82 {strides = array<i32>} : memref<128x128xf32, #tpu.memory_space<vmem>>, vector<1x16xf32>,
      %swap3A_83 = arith.index_cast %scan3A_57 : i32 to index
      %swap3A_84 = arith.constant 80 : index
      %swap3A_85 = tpu.vector_load %arg10[%swap3A_83, %swap3A_84] {strides = array<i32>} : memref<128x128xf32, #tpu.memory_space<vmem>>, vector<1x16xf32>,
      %swap3A_86 = vector.shape_cast %swap3A_85 : vector<1x16xf32> to vector<16xf32>
      %swap3A_87 = vector.shape_cast %broadcast_in_dim3A_0 : vector<16xf32> to vector<1x16xf32>
      tpu.vector_store %arg10[%swap3A_83, %swap3A_84], %swap3A_87 {strides = array<i32>} : memref<128x128xf32, #tpu.memory_space<vmem>>, vector<1x16xf32>,
      %swap3A_88 = arith.index_cast %scan3A_57 : i32 to index
      %swap3A_89 = arith.constant 96 : index
      %swap3A_90 = tpu.vector_load %arg10[%swap3A_88, %swap3A_89] {strides = array<i32>} : memref<128x128xf32, #tpu.memory_space<vmem>>, vector<1x16xf32>,
      %swap3A_91 = vector.shape_cast %swap3A_90 : vector<1x16xf32> to vector<16xf32>
      %swap3A_92 = vector.shape_cast %broadcast_in_dim3A_0 : vector<16xf32> to vector<1x16xf32>
      tpu.vector_store %arg10[%swap3A_88, %swap3A_89], %swap3A_92 {strides = array<i32>} : memref<128x128xf32, #tpu.memory_space<vmem>>, vector<1x16xf32>,
      %swap3A_93 = arith.index_cast %scan3A_57 : i32 to index
      %swap3A_94 = arith.constant 112 : index
      %swap3A_95 = tpu.vector_load %arg10[%swap3A_93, %swap3A_94] {strides = array<i32>} : memref<128x128xf32, #tpu.memory_space<vmem>>, vector<1x16xf32>,
      %swap3A_96 = vector.shape_cast %swap3A_95 : vector<1x16xf32> to vector<16xf32>
      %swap3A_97 = vector.shape_cast %broadcast_in_dim3A_0 : vector<16xf32> to vector<1x16xf32>
      tpu.vector_store %arg10[%swap3A_93, %swap3A_94], %swap3A_97 {strides = array<i32>} : memref<128x128xf32, #tpu.memory_space<vmem>>, vector<1x16xf32>,
      %scan3A_98 = arith.constant 0 : i32
      scf.yield %scan3A_98 : i32
    }
    %scan3A_8 = arith.constant 128 : i32
    %scan3A_9 = arith.constant 0 : i32
    %scan3A_10 = arith.constant 0 : i32
    %scan3A_11 = arith.constant 8 : i32
    %scan3A_12 = arith.addi %scan3A_10, %scan3A_11 : i32
    %scan3A_13 = arith.constant 1 : i32
    %scan3A_14 = scf.for %scan3A_57 = %scan3A_10 to %scan3A_12 step %scan3A_13 iter_args(%scan3A_58 = %scan3A_9) -> (i32)  : i32 {
      %mul3A_59 = arith.constant 16 : i32
      %mul3A_60 = arith.muli %scan3A_57, %mul3A_59 : i32
      %swap3A = arith.index_cast %mul3A_60 : i32 to index
      %swap3A_61 = tpu.vector_load %arg12[%swap3A] {strides = array<i32>} : memref<128xf32, #tpu.memory_space<vmem>>, vector<16xf32>,
      %swap3A_62 = vector.shape_cast %swap3A_61 : vector<16xf32> to vector<16xf32>
      %swap3A_63 = vector.shape_cast %broadcast_in_dim3A_2 : vector<16xf32> to vector<16xf32>
      tpu.vector_store %arg12[%swap3A], %swap3A_63 {strides = array<i32>} : memref<128xf32, #tpu.memory_space<vmem>>, vector<16xf32>,
      %scan3A_64 = arith.constant 0 : i32
      scf.yield %scan3A_64 : i32
    }
    %scan3A_15 = arith.constant 8 : i32
    %scan3A_16 = arith.constant 0 : i32
    %scan3A_17 = arith.constant 0 : i32
    %scan3A_18 = arith.constant 40 : i32
    %scan3A_19 = arith.addi %scan3A_17, %scan3A_18 : i32
    %scan3A_20 = arith.constant 1 : i32
    %scan3A_21 = scf.for %scan3A_57 = %scan3A_17 to %scan3A_19 step %scan3A_20 iter_args(%scan3A_58 = %scan3A_16) -> (i32)  : i32 {
      %mul3A_59 = arith.constant 16 : i32
      %mul3A_60 = arith.muli %scan3A_57, %mul3A_59 : i32
      %swap3A = arith.index_cast %mul3A_60 : i32 to index
      %swap3A_61 = tpu.vector_load %arg13[%swap3A] {strides = array<i32>} : memref<640xf32, #tpu.memory_space<vmem>>, vector<16xf32>,
      %swap3A_62 = vector.shape_cast %swap3A_61 : vector<16xf32> to vector<16xf32>
      %swap3A_63 = vector.shape_cast %broadcast_in_dim3A_0 : vector<16xf32> to vector<16xf32>
      tpu.vector_store %arg13[%swap3A], %swap3A_63 {strides = array<i32>} : memref<640xf32, #tpu.memory_space<vmem>>, vector<16xf32>,
      %scan3A_64 = arith.constant 0 : i32
      scf.yield %scan3A_64 : i32
    }
    %scan3A_22 = arith.constant 40 : i32
    %mul3A = arith.constant 640 : i32
    %mul3A_23 = arith.muli %arg1, %mul3A : i32
    %add3A = arith.constant 0 : i32
    %add3A_24 = arith.addi %mul3A_23, %add3A : i32
    "tpu.region"() ({
      %run_scoped3A = tpu.sem_alloc : memref<!tpu.dma_semaphore, #tpu.memory_space<semaphore_mem>>
      %dma_start3A_57 = arith.constant 0 : i32
      %dma_start3A_58 = tpu.memref_slice %arg14[%add3A_24, %dma_start3A_57] : memref<10240x128xf32, #tpu.memory_space<vmem_shared>> -> memref<128x128xf32, #tpu.memory_space<vmem_shared>>
      %dma_start3A_59 = arith.constant 0 : i32
      %dma_start3A_60 = tpu.memref_slice %arg14[%add3A_24, %dma_start3A_59] : memref<10240x128xf32, #tpu.memory_space<vmem_shared>> -> memref<128x128xf32, #tpu.memory_space<vmem_shared>>
      tpu.enqueue_dma source(%arg10 : memref<128x128xf32, #tpu.memory_space<vmem>>) target(%dma_start3A_60 : memref<128x128xf32, #tpu.memory_space<vmem_shared>>) target_semaphore(%run_scoped3A : memref<!tpu.dma_semaphore, #tpu.memory_space<semaphore_mem>>)
      %dma_wait3A = arith.constant 0 : i32
      %dma_wait3A_61 = tpu.memref_slice %arg14[%add3A_24, %dma_wait3A] : memref<10240x128xf32, #tpu.memory_space<vmem_shared>> -> memref<128x128xf32, #tpu.memory_space<vmem_shared>>
      %dma_wait3A_62 = arith.constant 0 : i32
      %dma_wait3A_63 = tpu.memref_slice %arg14[%add3A_24, %dma_wait3A_62] : memref<10240x128xf32, #tpu.memory_space<vmem_shared>> -> memref<128x128xf32, #tpu.memory_space<vmem_shared>>
      tpu.wait_dma2 semaphore(%run_scoped3A : memref<!tpu.dma_semaphore, #tpu.memory_space<semaphore_mem>>) src(%arg10 : memref<128x128xf32, #tpu.memory_space<vmem>>) dst(%dma_wait3A_63 : memref<128x128xf32, #tpu.memory_space<vmem_shared>>)
      tpu.yield
    }) : () -> ()
    %add3A_25 = arith.constant 128 : i32
    %add3A_26 = arith.addi %mul3A_23, %add3A_25 : i32
    "tpu.region"() ({
      %run_scoped3A = tpu.sem_alloc : memref<!tpu.dma_semaphore, #tpu.memory_space<semaphore_mem>>
      %dma_start3A_57 = arith.constant 0 : i32
      %dma_start3A_58 = tpu.memref_slice %arg14[%add3A_26, %dma_start3A_57] : memref<10240x128xf32, #tpu.memory_space<vmem_shared>> -> memref<128x128xf32, #tpu.memory_space<vmem_shared>>
      %dma_start3A_59 = arith.constant 0 : i32
      %dma_start3A_60 = tpu.memref_slice %arg14[%add3A_26, %dma_start3A_59] : memref<10240x128xf32, #tpu.memory_space<vmem_shared>> -> memref<128x128xf32, #tpu.memory_space<vmem_shared>>
      tpu.enqueue_dma source(%arg10 : memref<128x128xf32, #tpu.memory_space<vmem>>) target(%dma_start3A_60 : memref<128x128xf32, #tpu.memory_space<vmem_shared>>) target_semaphore(%run_scoped3A : memref<!tpu.dma_semaphore, #tpu.memory_space<semaphore_mem>>)
      %dma_wait3A = arith.constant 0 : i32
      %dma_wait3A_61 = tpu.memref_slice %arg14[%add3A_26, %dma_wait3A] : memref<10240x128xf32, #tpu.memory_space<vmem_shared>> -> memref<128x128xf32, #tpu.memory_space<vmem_shared>>
      %dma_wait3A_62 = arith.constant 0 : i32
      %dma_wait3A_63 = tpu.memref_slice %arg14[%add3A_26, %dma_wait3A_62] : memref<10240x128xf32, #tpu.memory_space<vmem_shared>> -> memref<128x128xf32, #tpu.memory_space<vmem_shared>>
      tpu.wait_dma2 semaphore(%run_scoped3A : memref<!tpu.dma_semaphore, #tpu.memory_space<semaphore_mem>>) src(%arg10 : memref<128x128xf32, #tpu.memory_space<vmem>>) dst(%dma_wait3A_63 : memref<128x128xf32, #tpu.memory_space<vmem_shared>>)
      tpu.yield
    }) : () -> ()
    %add3A_27 = arith.constant 256 : i32
    %add3A_28 = arith.addi %mul3A_23, %add3A_27 : i32
    "tpu.region"() ({
      %run_scoped3A = tpu.sem_alloc : memref<!tpu.dma_semaphore, #tpu.memory_space<semaphore_mem>>
      %dma_start3A_57 = arith.constant 0 : i32
      %dma_start3A_58 = tpu.memref_slice %arg14[%add3A_28, %dma_start3A_57] : memref<10240x128xf32, #tpu.memory_space<vmem_shared>> -> memref<128x128xf32, #tpu.memory_space<vmem_shared>>
      %dma_start3A_59 = arith.constant 0 : i32
      %dma_start3A_60 = tpu.memref_slice %arg14[%add3A_28, %dma_start3A_59] : memref<10240x128xf32, #tpu.memory_space<vmem_shared>> -> memref<128x128xf32, #tpu.memory_space<vmem_shared>>
      tpu.enqueue_dma source(%arg10 : memref<128x128xf32, #tpu.memory_space<vmem>>) target(%dma_start3A_60 : memref<128x128xf32, #tpu.memory_space<vmem_shared>>) target_semaphore(%run_scoped3A : memref<!tpu.dma_semaphore, #tpu.memory_space<semaphore_mem>>)
      %dma_wait3A = arith.constant 0 : i32
      %dma_wait3A_61 = tpu.memref_slice %arg14[%add3A_28, %dma_wait3A] : memref<10240x128xf32, #tpu.memory_space<vmem_shared>> -> memref<128x128xf32, #tpu.memory_space<vmem_shared>>
      %dma_wait3A_62 = arith.constant 0 : i32
      %dma_wait3A_63 = tpu.memref_slice %arg14[%add3A_28, %dma_wait3A_62] : memref<10240x128xf32, #tpu.memory_space<vmem_shared>> -> memref<128x128xf32, #tpu.memory_space<vmem_shared>>
      tpu.wait_dma2 semaphore(%run_scoped3A : memref<!tpu.dma_semaphore, #tpu.memory_space<semaphore_mem>>) src(%arg10 : memref<128x128xf32, #tpu.memory_space<vmem>>) dst(%dma_wait3A_63 : memref<128x128xf32, #tpu.memory_space<vmem_shared>>)
      tpu.yield
    }) : () -> ()
    %add3A_29 = arith.constant 384 : i32
    %add3A_30 = arith.addi %mul3A_23, %add3A_29 : i32
    "tpu.region"() ({
      %run_scoped3A = tpu.sem_alloc : memref<!tpu.dma_semaphore, #tpu.memory_space<semaphore_mem>>
      %dma_start3A_57 = arith.constant 0 : i32
      %dma_start3A_58 = tpu.memref_slice %arg14[%add3A_30, %dma_start3A_57] : memref<10240x128xf32, #tpu.memory_space<vmem_shared>> -> memref<128x128xf32, #tpu.memory_space<vmem_shared>>
      %dma_start3A_59 = arith.constant 0 : i32
      %dma_start3A_60 = tpu.memref_slice %arg14[%add3A_30, %dma_start3A_59] : memref<10240x128xf32, #tpu.memory_space<vmem_shared>> -> memref<128x128xf32, #tpu.memory_space<vmem_shared>>
      tpu.enqueue_dma source(%arg10 : memref<128x128xf32, #tpu.memory_space<vmem>>) target(%dma_start3A_60 : memref<128x128xf32, #tpu.memory_space<vmem_shared>>) target_semaphore(%run_scoped3A : memref<!tpu.dma_semaphore, #tpu.memory_space<semaphore_mem>>)
      %dma_wait3A = arith.constant 0 : i32
      %dma_wait3A_61 = tpu.memref_slice %arg14[%add3A_30, %dma_wait3A] : memref<10240x128xf32, #tpu.memory_space<vmem_shared>> -> memref<128x128xf32, #tpu.memory_space<vmem_shared>>
      %dma_wait3A_62 = arith.constant 0 : i32
      %dma_wait3A_63 = tpu.memref_slice %arg14[%add3A_30, %dma_wait3A_62] : memref<10240x128xf32, #tpu.memory_space<vmem_shared>> -> memref<128x128xf32, #tpu.memory_space<vmem_shared>>
      tpu.wait_dma2 semaphore(%run_scoped3A : memref<!tpu.dma_semaphore, #tpu.memory_space<semaphore_mem>>) src(%arg10 : memref<128x128xf32, #tpu.memory_space<vmem>>) dst(%dma_wait3A_63 : memref<128x128xf32, #tpu.memory_space<vmem_shared>>)
      tpu.yield
    }) : () -> ()
    %add3A_31 = arith.constant 512 : i32
    %add3A_32 = arith.addi %mul3A_23, %add3A_31 : i32
    "tpu.region"() ({
      %run_scoped3A = tpu.sem_alloc : memref<!tpu.dma_semaphore, #tpu.memory_space<semaphore_mem>>
      %dma_start3A_57 = arith.constant 0 : i32
      %dma_start3A_58 = tpu.memref_slice %arg14[%add3A_32, %dma_start3A_57] : memref<10240x128xf32, #tpu.memory_space<vmem_shared>> -> memref<128x128xf32, #tpu.memory_space<vmem_shared>>
      %dma_start3A_59 = arith.constant 0 : i32
      %dma_start3A_60 = tpu.memref_slice %arg14[%add3A_32, %dma_start3A_59] : memref<10240x128xf32, #tpu.memory_space<vmem_shared>> -> memref<128x128xf32, #tpu.memory_space<vmem_shared>>
      tpu.enqueue_dma source(%arg10 : memref<128x128xf32, #tpu.memory_space<vmem>>) target(%dma_start3A_60 : memref<128x128xf32, #tpu.memory_space<vmem_shared>>) target_semaphore(%run_scoped3A : memref<!tpu.dma_semaphore, #tpu.memory_space<semaphore_mem>>)
      %dma_wait3A = arith.constant 0 : i32
      %dma_wait3A_61 = tpu.memref_slice %arg14[%add3A_32, %dma_wait3A] : memref<10240x128xf32, #tpu.memory_space<vmem_shared>> -> memref<128x128xf32, #tpu.memory_space<vmem_shared>>
      %dma_wait3A_62 = arith.constant 0 : i32
      %dma_wait3A_63 = tpu.memref_slice %arg14[%add3A_32, %dma_wait3A_62] : memref<10240x128xf32, #tpu.memory_space<vmem_shared>> -> memref<128x128xf32, #tpu.memory_space<vmem_shared>>
      tpu.wait_dma2 semaphore(%run_scoped3A : memref<!tpu.dma_semaphore, #tpu.memory_space<semaphore_mem>>) src(%arg10 : memref<128x128xf32, #tpu.memory_space<vmem>>) dst(%dma_wait3A_63 : memref<128x128xf32, #tpu.memory_space<vmem_shared>>)
      tpu.yield
    }) : () -> ()
    "tpu.region"() ({
      %run_scoped3A = tpu.sem_alloc : memref<!tpu.dma_semaphore, #tpu.memory_space<semaphore_mem>>
      %dma_start3A_57 = tpu.memref_slice %arg15[%mul3A_23] : memref<10240xf32, #tpu.memory_space<vmem_shared>> -> memref<640xf32, #tpu.memory_space<vmem_shared>>
      %dma_start3A_58 = tpu.memref_slice %arg15[%mul3A_23] : memref<10240xf32, #tpu.memory_space<vmem_shared>> -> memref<640xf32, #tpu.memory_space<vmem_shared>>
      tpu.enqueue_dma source(%arg13 : memref<640xf32, #tpu.memory_space<vmem>>) target(%dma_start3A_58 : memref<640xf32, #tpu.memory_space<vmem_shared>>) target_semaphore(%run_scoped3A : memref<!tpu.dma_semaphore, #tpu.memory_space<semaphore_mem>>)
      %dma_wait3A = tpu.memref_slice %arg15[%mul3A_23] : memref<10240xf32, #tpu.memory_space<vmem_shared>> -> memref<640xf32, #tpu.memory_space<vmem_shared>>
      %dma_wait3A_59 = tpu.memref_slice %arg15[%mul3A_23] : memref<10240xf32, #tpu.memory_space<vmem_shared>> -> memref<640xf32, #tpu.memory_space<vmem_shared>>
      tpu.wait_dma2 semaphore(%run_scoped3A : memref<!tpu.dma_semaphore, #tpu.memory_space<semaphore_mem>>) src(%arg13 : memref<640xf32, #tpu.memory_space<vmem>>) dst(%dma_wait3A_59 : memref<640xf32, #tpu.memory_space<vmem_shared>>)
      tpu.yield
    }) : () -> ()
    %mul3A_33 = arith.constant 10240 : i32
    %mul3A_34 = arith.muli %arg1, %mul3A_33 : i32
    "tpu.region"() ({
      %run_scoped3A = tpu.sem_alloc : memref<!tpu.dma_semaphore, #tpu.memory_space<semaphore_mem>>
      %dma_start3A_57 = tpu.memref_slice %arg3[%mul3A_34] : memref<163840xi32, #tpu.memory_space<hbm>> -> memref<10240xi32, #tpu.memory_space<hbm>>
      %dma_start3A_58 = tpu.memref_slice %arg3[%mul3A_34] : memref<163840xi32, #tpu.memory_space<hbm>> -> memref<10240xi32, #tpu.memory_space<hbm>>
      tpu.enqueue_dma source(%dma_start3A_58 : memref<10240xi32, #tpu.memory_space<hbm>>) target(%arg7 : memref<10240xi32, #tpu.memory_space<vmem>>) target_semaphore(%run_scoped3A : memref<!tpu.dma_semaphore, #tpu.memory_space<semaphore_mem>>)
      %dma_wait3A = tpu.memref_slice %arg3[%mul3A_34] : memref<163840xi32, #tpu.memory_space<hbm>> -> memref<10240xi32, #tpu.memory_space<hbm>>
      %dma_wait3A_59 = tpu.memref_slice %arg3[%mul3A_34] : memref<163840xi32, #tpu.memory_space<hbm>> -> memref<10240xi32, #tpu.memory_space<hbm>>
      tpu.wait_dma2 semaphore(%run_scoped3A : memref<!tpu.dma_semaphore, #tpu.memory_space<semaphore_mem>>) src(%dma_wait3A_59 : memref<10240xi32, #tpu.memory_space<hbm>>) dst(%arg7 : memref<10240xi32, #tpu.memory_space<vmem>>)
      tpu.yield
    }) : () -> ()
    %barrier3A = arith.constant 0 : index
    tpu.barrier barrier_id(%barrier3A)
    %mul3A_35 = arith.constant 128 : i32
    %mul3A_36 = arith.muli %arg0, %mul3A_35 : i32
    %mul3A_37 = arith.constant 10240 : i32
    %mul3A_38 = arith.muli %arg1, %mul3A_37 : i32
    %dma_start3A = arith.constant 0 : i32
    %dma_start3A_39 = tpu.memref_slice %arg7[%dma_start3A] : memref<10240xi32, #tpu.memory_space<vmem>> -> memref<128xi32, #tpu.memory_space<vmem>>
    %dma_start3A_40 = arith.constant 0 : i32
    %dma_start3A_41 = tpu.memref_slice %arg2[%dma_start3A_40, %mul3A_36] : memref<10000x256xf32, #tpu.memory_space<hbm>> -> memref<10000x128xf32, #tpu.memory_space<hbm>>
    %dma_start3A_42 = arith.constant 0 : i32
    %dma_start3A_43 = arith.constant 0 : i32
    %dma_start3A_44 = tpu.memref_slice %dma_start3A_41[%dma_start3A_42, %dma_start3A_43] : memref<10000x128xf32, #tpu.memory_space<hbm>> -> memref<10000x128xf32, #tpu.memory_space<hbm>>
    tpu.enqueue_indirect_dma source(%dma_start3A_44 : memref<10000x128xf32, #tpu.memory_space<hbm>>) target(%arg10 : memref<128x128xf32, #tpu.memory_space<vmem>>) offsets(%dma_start3A_39 : memref<128xi32, #tpu.memory_space<vmem>>) semaphore(%arg16 : memref<!tpu.dma_semaphore, #tpu.memory_space<semaphore_mem>>)
    %add3A_45 = arith.constant 0 : i32
    %add3A_46 = arith.addi %mul3A_38, %add3A_45 : i32
    %dma_start3A_47 = tpu.memref_slice %arg4[%add3A_46] : memref<163840xi32, #tpu.memory_space<hbm>> -> memref<128xi32, #tpu.memory_space<hbm>>
    %dma_start3A_48 = tpu.memref_slice %arg4[%add3A_46] : memref<163840xi32, #tpu.memory_space<hbm>> -> memref<128xi32, #tpu.memory_space<hbm>>
    tpu.enqueue_dma source(%dma_start3A_48 : memref<128xi32, #tpu.memory_space<hbm>>) target(%arg8 : memref<128xi32, #tpu.memory_space<vmem>>) target_semaphore(%arg16 : memref<!tpu.dma_semaphore, #tpu.memory_space<semaphore_mem>>)
    %scan3A_49 = arith.constant 0 : i32
    %scan3A_50 = arith.constant 0 : i32
    %scan3A_51 = arith.constant 40 : i32
    %scan3A_52 = arith.addi %scan3A_50, %scan3A_51 : i32
    %scan3A_53 = arith.constant 1 : i32
    %scan3A_54 = scf.for %scan3A_57 = %scan3A_50 to %scan3A_52 step %scan3A_53 iter_args(%scan3A_58 = %scan3A_49) -> (i32)  : i32 {
      %mul3A_59 = arith.constant 2 : i32
      %mul3A_60 = arith.muli %mul3A_59, %scan3A_57 : i32
      %add3A_61 = arith.constant 1 : i32
      %add3A_62 = arith.addi %mul3A_60, %add3A_61 : i32
      %mul3A_63 = arith.constant 128 : i32
      %mul3A_64 = arith.muli %add3A_62, %mul3A_63 : i32
      %dma_start3A_65 = tpu.memref_slice %arg7[%mul3A_64] : memref<10240xi32, #tpu.memory_space<vmem>> -> memref<128xi32, #tpu.memory_space<vmem>>
      %dma_start3A_66 = arith.constant 0 : i32
      %dma_start3A_67 = tpu.memref_slice %arg2[%dma_start3A_66, %mul3A_36] : memref<10000x256xf32, #tpu.memory_space<hbm>> -> memref<10000x128xf32, #tpu.memory_space<hbm>>
      %dma_start3A_68 = arith.constant 0 : i32
      %dma_start3A_69 = arith.constant 0 : i32
      %dma_start3A_70 = tpu.memref_slice %dma_start3A_67[%dma_start3A_68, %dma_start3A_69] : memref<10000x128xf32, #tpu.memory_space<hbm>> -> memref<10000x128xf32, #tpu.memory_space<hbm>>
      tpu.enqueue_indirect_dma source(%dma_start3A_70 : memref<10000x128xf32, #tpu.memory_space<hbm>>) target(%arg11 : memref<128x128xf32, #tpu.memory_space<vmem>>) offsets(%dma_start3A_65 : memref<128xi32, #tpu.memory_space<vmem>>) semaphore(%arg17 : memref<!tpu.dma_semaphore, #tpu.memory_space<semaphore_mem>>)
      %mul3A_71 = arith.constant 128 : i32
      %mul3A_72 = arith.muli %add3A_62, %mul3A_71 : i32
      %add3A_73 = arith.addi %mul3A_38, %mul3A_72 : i32
      %dma_start3A_74 = tpu.memref_slice %arg4[%add3A_73] : memref<163840xi32, #tpu.memory_space<hbm>> -> memref<128xi32, #tpu.memory_space<hbm>>
      %dma_start3A_75 = tpu.memref_slice %arg4[%add3A_73] : memref<163840xi32, #tpu.memory_space<hbm>> -> memref<128xi32, #tpu.memory_space<hbm>>
      tpu.enqueue_dma source(%dma_start3A_75 : memref<128xi32, #tpu.memory_space<hbm>>) target(%arg9 : memref<128xi32, #tpu.memory_space<vmem>>) target_semaphore(%arg17 : memref<!tpu.dma_semaphore, #tpu.memory_space<semaphore_mem>>)
      %dma_wait3A = arith.constant 0 : i32
      %dma_wait3A_76 = tpu.memref_slice %arg7[%dma_wait3A] : memref<10240xi32, #tpu.memory_space<vmem>> -> memref<128xi32, #tpu.memory_space<vmem>>
      %dma_wait3A_77 = arith.constant 0 : i32
      %dma_wait3A_78 = tpu.memref_slice %arg2[%dma_wait3A_77, %mul3A_36] : memref<10000x256xf32, #tpu.memory_space<hbm>> -> memref<10000x128xf32, #tpu.memory_space<hbm>>
      %dma_wait3A_79 = arith.constant 0 : i32
      %dma_wait3A_80 = arith.constant 0 : i32
      %dma_wait3A_81 = tpu.memref_slice %dma_wait3A_78[%dma_wait3A_79, %dma_wait3A_80] : memref<10000x128xf32, #tpu.memory_space<hbm>> -> memref<10000x128xf32, #tpu.memory_space<hbm>>
      tpu.wait_indirect_dma semaphore(%arg16 : memref<!tpu.dma_semaphore, #tpu.memory_space<semaphore_mem>>) src(%dma_wait3A_81 : memref<10000x128xf32, #tpu.memory_space<hbm>>) dst(%arg10 : memref<128x128xf32, #tpu.memory_space<vmem>>)
      %dma_wait3A_82 = arith.constant 0 : i32
      %dma_wait3A_83 = tpu.memref_slice %arg4[%dma_wait3A_82] : memref<163840xi32, #tpu.memory_space<hbm>> -> memref<128xi32, #tpu.memory_space<hbm>>
      %dma_wait3A_84 = arith.constant 0 : i32
      %dma_wait3A_85 = tpu.memref_slice %arg4[%dma_wait3A_84] : memref<163840xi32, #tpu.memory_space<hbm>> -> memref<128xi32, #tpu.memory_space<hbm>>
      tpu.wait_dma2 semaphore(%arg16 : memref<!tpu.dma_semaphore, #tpu.memory_space<semaphore_mem>>) src(%dma_wait3A_85 : memref<128xi32, #tpu.memory_space<hbm>>) dst(%arg8 : memref<128xi32, #tpu.memory_space<vmem>>)
      %mul3A_86 = arith.constant 2 : i32
      %mul3A_87 = arith.muli %mul3A_86, %scan3A_57 : i32
      "tpu.region"() ({
        %run_scoped3A = tpu.sem_alloc : memref<!tpu.dma_semaphore, #tpu.memory_space<semaphore_mem>>
        %dma_start3A_125 = arith.constant 0 : i32
        %dma_start3A_126 = arith.constant 0 : i32
        %dma_start3A_127 = tpu.memref_slice %arg14[%dma_start3A_125, %dma_start3A_126] : memref<10240x128xf32, #tpu.memory_space<vmem_shared>> -> memref<10240x128xf32, #tpu.memory_space<vmem_shared>>
        tpu.enqueue_indirect_dma source(%arg10 : memref<128x128xf32, #tpu.memory_space<vmem>>) target(%dma_start3A_127 : memref<10240x128xf32, #tpu.memory_space<vmem_shared>>) offsets(%arg8 : memref<128xi32, #tpu.memory_space<vmem>>) semaphore(%run_scoped3A : memref<!tpu.dma_semaphore, #tpu.memory_space<semaphore_mem>>) {add = true}
        %dma_wait3A_128 = arith.constant 0 : i32
        %dma_wait3A_129 = arith.constant 0 : i32
        %dma_wait3A_130 = tpu.memref_slice %arg14[%dma_wait3A_128, %dma_wait3A_129] : memref<10240x128xf32, #tpu.memory_space<vmem_shared>> -> memref<10240x128xf32, #tpu.memory_space<vmem_shared>>
        tpu.wait_indirect_dma semaphore(%run_scoped3A : memref<!tpu.dma_semaphore, #tpu.memory_space<semaphore_mem>>) src(%arg10 : memref<128x128xf32, #tpu.memory_space<vmem>>) dst(%dma_wait3A_130 : memref<10240x128xf32, #tpu.memory_space<vmem_shared>>)
        tpu.yield
      }) : () -> ()
      %lt3A = arith.constant 40 : i32
      %lt3A_88 = arith.cmpi slt, %mul3A_87, %lt3A : i32
      %eq3A = arith.constant 0 : i32
      %eq3A_89 = arith.cmpi eq, %arg0, %eq3A : i32
      %eq3A_90 = arith.xori %lt3A_88, %eq3A_89 : i1
      %eq3A_91 = arith.constant true
      %eq3A_92 = arith.xori %eq3A_90, %eq3A_91 : i1
      %convert_element_type3A = arith.extui %eq3A_92 : i1 to i32
      %cond3A = arith.constant 0 : i32
      %cond3A_93 = arith.cmpi ne, %convert_element_type3A, %cond3A : i32
      scf.if %cond3A_93 {
        "tpu.region"() ({
          %run_scoped3A = tpu.sem_alloc : memref<!tpu.dma_semaphore, #tpu.memory_space<semaphore_mem>>
          %dma_start3A_125 = arith.constant 0 : i32
          %dma_start3A_126 = tpu.memref_slice %arg15[%dma_start3A_125] : memref<10240xf32, #tpu.memory_space<vmem_shared>> -> memref<10240xf32, #tpu.memory_space<vmem_shared>>
          tpu.enqueue_indirect_dma source(%arg12 : memref<128xf32, #tpu.memory_space<vmem>>) target(%dma_start3A_126 : memref<10240xf32, #tpu.memory_space<vmem_shared>>) offsets(%arg8 : memref<128xi32, #tpu.memory_space<vmem>>) semaphore(%run_scoped3A : memref<!tpu.dma_semaphore, #tpu.memory_space<semaphore_mem>>) {add = true}
          %dma_wait3A_127 = arith.constant 0 : i32
          %dma_wait3A_128 = tpu.memref_slice %arg15[%dma_wait3A_127] : memref<10240xf32, #tpu.memory_space<vmem_shared>> -> memref<10240xf32, #tpu.memory_space<vmem_shared>>
          tpu.wait_indirect_dma semaphore(%run_scoped3A : memref<!tpu.dma_semaphore, #tpu.memory_space<semaphore_mem>>) src(%arg12 : memref<128xf32, #tpu.memory_space<vmem>>) dst(%dma_wait3A_128 : memref<10240xf32, #tpu.memory_space<vmem_shared>>)
          tpu.yield
        }) : () -> ()
      } else {
      }
      %lt3A_94 = arith.constant 39 : i32
      %lt3A_95 = arith.cmpi slt, %scan3A_57, %lt3A_94 : i32
      %convert_element_type3A_96 = arith.extui %lt3A_95 : i1 to i32
      %cond3A_97 = arith.constant 0 : i32
      %cond3A_98 = arith.cmpi ne, %convert_element_type3A_96, %cond3A_97 : i32
      scf.if %cond3A_98 {
        %mul3A_125 = arith.constant 2 : i32
        %mul3A_126 = arith.muli %mul3A_125, %scan3A_57 : i32
        %add3A_127 = arith.constant 2 : i32
        %add3A_128 = arith.addi %mul3A_126, %add3A_127 : i32
        %mul3A_129 = arith.constant 128 : i32
        %mul3A_130 = arith.muli %add3A_128, %mul3A_129 : i32
        %dma_start3A_131 = tpu.memref_slice %arg7[%mul3A_130] : memref<10240xi32, #tpu.memory_space<vmem>> -> memref<128xi32, #tpu.memory_space<vmem>>
        %dma_start3A_132 = arith.constant 0 : i32
        %dma_start3A_133 = tpu.memref_slice %arg2[%dma_start3A_132, %mul3A_36] : memref<10000x256xf32, #tpu.memory_space<hbm>> -> memref<10000x128xf32, #tpu.memory_space<hbm>>
        %dma_start3A_134 = arith.constant 0 : i32
        %dma_start3A_135 = arith.constant 0 : i32
        %dma_start3A_136 = tpu.memref_slice %dma_start3A_133[%dma_start3A_134, %dma_start3A_135] : memref<10000x128xf32, #tpu.memory_space<hbm>> -> memref<10000x128xf32, #tpu.memory_space<hbm>>
        tpu.enqueue_indirect_dma source(%dma_start3A_136 : memref<10000x128xf32, #tpu.memory_space<hbm>>) target(%arg10 : memref<128x128xf32, #tpu.memory_space<vmem>>) offsets(%dma_start3A_131 : memref<128xi32, #tpu.memory_space<vmem>>) semaphore(%arg16 : memref<!tpu.dma_semaphore, #tpu.memory_space<semaphore_mem>>)
        %mul3A_137 = arith.constant 128 : i32
        %mul3A_138 = arith.muli %add3A_128, %mul3A_137 : i32
        %add3A_139 = arith.addi %mul3A_38, %mul3A_138 : i32
        %dma_start3A_140 = tpu.memref_slice %arg4[%add3A_139] : memref<163840xi32, #tpu.memory_space<hbm>> -> memref<128xi32, #tpu.memory_space<hbm>>
        %dma_start3A_141 = tpu.memref_slice %arg4[%add3A_139] : memref<163840xi32, #tpu.memory_space<hbm>> -> memref<128xi32, #tpu.memory_space<hbm>>
        tpu.enqueue_dma source(%dma_start3A_141 : memref<128xi32, #tpu.memory_space<hbm>>) target(%arg8 : memref<128xi32, #tpu.memory_space<vmem>>) target_semaphore(%arg16 : memref<!tpu.dma_semaphore, #tpu.memory_space<semaphore_mem>>)
      } else {
      }
      %dma_wait3A_99 = arith.constant 0 : i32
      %dma_wait3A_100 = tpu.memref_slice %arg7[%dma_wait3A_99] : memref<10240xi32, #tpu.memory_space<vmem>> -> memref<128xi32, #tpu.memory_space<vmem>>
      %dma_wait3A_101 = arith.constant 0 : i32
      %dma_wait3A_102 = tpu.memref_slice %arg2[%dma_wait3A_101, %mul3A_36] : memref<10000x256xf32, #tpu.memory_space<hbm>> -> memref<10000x128xf32, #tpu.memory_space<hbm>>
      %dma_wait3A_103 = arith.constant 0 : i32
      %dma_wait3A_104 = arith.constant 0 : i32
      %dma_wait3A_105 = tpu.memref_slice %dma_wait3A_102[%dma_wait3A_103, %dma_wait3A_104] : memref<10000x128xf32, #tpu.memory_space<hbm>> -> memref<10000x128xf32, #tpu.memory_space<hbm>>
      tpu.wait_indirect_dma semaphore(%arg17 : memref<!tpu.dma_semaphore, #tpu.memory_space<semaphore_mem>>) src(%dma_wait3A_105 : memref<10000x128xf32, #tpu.memory_space<hbm>>) dst(%arg11 : memref<128x128xf32, #tpu.memory_space<vmem>>)
      %dma_wait3A_106 = arith.constant 0 : i32
      %dma_wait3A_107 = tpu.memref_slice %arg4[%dma_wait3A_106] : memref<163840xi32, #tpu.memory_space<hbm>> -> memref<128xi32, #tpu.memory_space<hbm>>
      %dma_wait3A_108 = arith.constant 0 : i32
      %dma_wait3A_109 = tpu.memref_slice %arg4[%dma_wait3A_108] : memref<163840xi32, #tpu.memory_space<hbm>> -> memref<128xi32, #tpu.memory_space<hbm>>
      tpu.wait_dma2 semaphore(%arg17 : memref<!tpu.dma_semaphore, #tpu.memory_space<semaphore_mem>>) src(%dma_wait3A_109 : memref<128xi32, #tpu.memory_space<hbm>>) dst(%arg9 : memref<128xi32, #tpu.memory_space<vmem>>)
      %mul3A_110 = arith.constant 2 : i32
      %mul3A_111 = arith.muli %mul3A_110, %scan3A_57 : i32
      %add3A_112 = arith.constant 1 : i32
      %add3A_113 = arith.addi %mul3A_111, %add3A_112 : i32
      "tpu.region"() ({
        %run_scoped3A = tpu.sem_alloc : memref<!tpu.dma_semaphore, #tpu.memory_space<semaphore_mem>>
        %dma_start3A_125 = arith.constant 0 : i32
        %dma_start3A_126 = arith.constant 0 : i32
        %dma_start3A_127 = tpu.memref_slice %arg14[%dma_start3A_125, %dma_start3A_126] : memref<10240x128xf32, #tpu.memory_space<vmem_shared>> -> memref<10240x128xf32, #tpu.memory_space<vmem_shared>>
        tpu.enqueue_indirect_dma source(%arg11 : memref<128x128xf32, #tpu.memory_space<vmem>>) target(%dma_start3A_127 : memref<10240x128xf32, #tpu.memory_space<vmem_shared>>) offsets(%arg9 : memref<128xi32, #tpu.memory_space<vmem>>) semaphore(%run_scoped3A : memref<!tpu.dma_semaphore, #tpu.memory_space<semaphore_mem>>) {add = true}
        %dma_wait3A_128 = arith.constant 0 : i32
        %dma_wait3A_129 = arith.constant 0 : i32
        %dma_wait3A_130 = tpu.memref_slice %arg14[%dma_wait3A_128, %dma_wait3A_129] : memref<10240x128xf32, #tpu.memory_space<vmem_shared>> -> memref<10240x128xf32, #tpu.memory_space<vmem_shared>>
        tpu.wait_indirect_dma semaphore(%run_scoped3A : memref<!tpu.dma_semaphore, #tpu.memory_space<semaphore_mem>>) src(%arg11 : memref<128x128xf32, #tpu.memory_space<vmem>>) dst(%dma_wait3A_130 : memref<10240x128xf32, #tpu.memory_space<vmem_shared>>)
        tpu.yield
      }) : () -> ()
      %lt3A_114 = arith.constant 40 : i32
      %lt3A_115 = arith.cmpi slt, %add3A_113, %lt3A_114 : i32
      %eq3A_116 = arith.constant 0 : i32
      %eq3A_117 = arith.cmpi eq, %arg0, %eq3A_116 : i32
      %eq3A_118 = arith.xori %lt3A_115, %eq3A_117 : i1
      %eq3A_119 = arith.constant true
      %eq3A_120 = arith.xori %eq3A_118, %eq3A_119 : i1
      %convert_element_type3A_121 = arith.extui %eq3A_120 : i1 to i32
      %cond3A_122 = arith.constant 0 : i32
      %cond3A_123 = arith.cmpi ne, %convert_element_type3A_121, %cond3A_122 : i32
      scf.if %cond3A_123 {
        "tpu.region"() ({
          %run_scoped3A = tpu.sem_alloc : memref<!tpu.dma_semaphore, #tpu.memory_space<semaphore_mem>>
          %dma_start3A_125 = arith.constant 0 : i32
          %dma_start3A_126 = tpu.memref_slice %arg15[%dma_start3A_125] : memref<10240xf32, #tpu.memory_space<vmem_shared>> -> memref<10240xf32, #tpu.memory_space<vmem_shared>>
          tpu.enqueue_indirect_dma source(%arg12 : memref<128xf32, #tpu.memory_space<vmem>>) target(%dma_start3A_126 : memref<10240xf32, #tpu.memory_space<vmem_shared>>) offsets(%arg9 : memref<128xi32, #tpu.memory_space<vmem>>) semaphore(%run_scoped3A : memref<!tpu.dma_semaphore, #tpu.memory_space<semaphore_mem>>) {add = true}
          %dma_wait3A_127 = arith.constant 0 : i32
          %dma_wait3A_128 = tpu.memref_slice %arg15[%dma_wait3A_127] : memref<10240xf32, #tpu.memory_space<vmem_shared>> -> memref<10240xf32, #tpu.memory_space<vmem_shared>>
          tpu.wait_indirect_dma semaphore(%run_scoped3A : memref<!tpu.dma_semaphore, #tpu.memory_space<semaphore_mem>>) src(%arg12 : memref<128xf32, #tpu.memory_space<vmem>>) dst(%dma_wait3A_128 : memref<10240xf32, #tpu.memory_space<vmem_shared>>)
          tpu.yield
        }) : () -> ()
      } else {
      }
      %scan3A_124 = arith.constant 0 : i32
      scf.yield %scan3A_124 : i32
    }
    %scan3A_55 = arith.constant 40 : i32
    %barrier3A_56 = arith.constant 0 : index
    tpu.barrier barrier_id(%barrier3A_56)
    "tpu.region"() ({
      %run_scoped3A = tpu.sem_alloc : memref<!tpu.dma_semaphore, #tpu.memory_space<semaphore_mem>>
      %dma_start3A_57 = arith.constant 0 : i32
      %dma_start3A_58 = tpu.memref_slice %arg5[%arg0, %mul3A_23, %dma_start3A_57] : memref<2x10240x128xf32, #tpu.memory_space<hbm>> -> memref<1x640x128xf32, #tpu.memory_space<hbm>>
      %dma_start3A_59 = tpu.memref_squeeze %dma_start3A_58 : memref<1x640x128xf32, #tpu.memory_space<hbm>> -> memref<640x128xf32, #tpu.memory_space<hbm>>
      %dma_start3A_60 = arith.constant 0 : i32
      %dma_start3A_61 = tpu.memref_slice %arg14[%mul3A_23, %dma_start3A_60] : memref<10240x128xf32, #tpu.memory_space<vmem_shared>> -> memref<640x128xf32, #tpu.memory_space<vmem_shared>>
      tpu.enqueue_dma source(%dma_start3A_61 : memref<640x128xf32, #tpu.memory_space<vmem_shared>>) target(%dma_start3A_59 : memref<640x128xf32, #tpu.memory_space<hbm>>) target_semaphore(%run_scoped3A : memref<!tpu.dma_semaphore, #tpu.memory_space<semaphore_mem>>)
      %dma_wait3A = arith.constant 0 : i32
      %dma_wait3A_62 = tpu.memref_slice %arg5[%arg0, %mul3A_23, %dma_wait3A] : memref<2x10240x128xf32, #tpu.memory_space<hbm>> -> memref<1x640x128xf32, #tpu.memory_space<hbm>>
      %dma_wait3A_63 = tpu.memref_squeeze %dma_wait3A_62 : memref<1x640x128xf32, #tpu.memory_space<hbm>> -> memref<640x128xf32, #tpu.memory_space<hbm>>
      %dma_wait3A_64 = arith.constant 0 : i32
      %dma_wait3A_65 = tpu.memref_slice %arg14[%mul3A_23, %dma_wait3A_64] : memref<10240x128xf32, #tpu.memory_space<vmem_shared>> -> memref<640x128xf32, #tpu.memory_space<vmem_shared>>
      tpu.wait_dma2 semaphore(%run_scoped3A : memref<!tpu.dma_semaphore, #tpu.memory_space<semaphore_mem>>) src(%dma_wait3A_65 : memref<640x128xf32, #tpu.memory_space<vmem_shared>>) dst(%dma_wait3A_63 : memref<640x128xf32, #tpu.memory_space<hbm>>)
      tpu.yield
    }) : () -> ()
    "tpu.region"() ({
      %run_scoped3A = tpu.sem_alloc : memref<!tpu.dma_semaphore, #tpu.memory_space<semaphore_mem>>
      %dma_start3A_57 = tpu.memref_slice %arg6[%arg0, %mul3A_23] : memref<2x10240xf32, #tpu.memory_space<hbm>> -> memref<1x640xf32, #tpu.memory_space<hbm>>
      %dma_start3A_58 = tpu.memref_squeeze %dma_start3A_57 : memref<1x640xf32, #tpu.memory_space<hbm>> -> memref<640xf32, #tpu.memory_space<hbm>>
      %dma_start3A_59 = tpu.memref_slice %arg15[%mul3A_23] : memref<10240xf32, #tpu.memory_space<vmem_shared>> -> memref<640xf32, #tpu.memory_space<vmem_shared>>
      tpu.enqueue_dma source(%dma_start3A_59 : memref<640xf32, #tpu.memory_space<vmem_shared>>) target(%dma_start3A_58 : memref<640xf32, #tpu.memory_space<hbm>>) target_semaphore(%run_scoped3A : memref<!tpu.dma_semaphore, #tpu.memory_space<semaphore_mem>>)
      %dma_wait3A = tpu.memref_slice %arg6[%arg0, %mul3A_23] : memref<2x10240xf32, #tpu.memory_space<hbm>> -> memref<1x640xf32, #tpu.memory_space<hbm>>
      %dma_wait3A_60 = tpu.memref_squeeze %dma_wait3A : memref<1x640xf32, #tpu.memory_space<hbm>> -> memref<640xf32, #tpu.memory_space<hbm>>
      %dma_wait3A_61 = tpu.memref_slice %arg15[%mul3A_23] : memref<10240xf32, #tpu.memory_space<vmem_shared>> -> memref<640xf32, #tpu.memory_space<vmem_shared>>
      tpu.wait_dma2 semaphore(%run_scoped3A : memref<!tpu.dma_semaphore, #tpu.memory_space<semaphore_mem>>) src(%dma_wait3A_61 : memref<640xf32, #tpu.memory_space<vmem_shared>>) dst(%dma_wait3A_60 : memref<640xf32, #tpu.memory_space<hbm>>)
      tpu.yield
    }) : () -> ()
    return
  }
}

module attributes {stable_mosaic.version = 14 : i64} {
  func.func @_tc_hpart_body(%arg0: i32, %arg1: memref<400x256xf32, #tpu.memory_space<vmem>>, %arg2: memref<256x512xf32, #tpu.memory_space<vmem>>, %arg3: memref<400x256xf32, #tpu.memory_space<vmem>>) attributes {dimension_semantics = [#tpu.dimension_semantics<arbitrary>], iteration_bounds = array<i64: 25>, scalar_prefetch = 0 : i64, scratch_operands = 0 : i64, tpu.core_type = #tpu.core_type<tc>, window_params = [{transform_indices = @transform_0, window_bounds = array<i64: 400, 256>}, {pipeline_mode = #tpu.pipeline_mode<synchronous>, transform_indices = @transform_1, window_bounds = array<i64: 256, 512>}, {transform_indices = @transform_2, window_bounds = array<i64: 400, 256>}]} {
    %get3A = arith.constant 0 : index
    %get3A_0 = arith.constant 0 : index
    %get3A_1 = vector.load %arg1[%get3A, %get3A_0] : memref<400x256xf32, #tpu.memory_space<vmem>>, vector<400x256xf32>
    %get3A_2 = arith.constant 0 : index
    %get3A_3 = arith.constant 0 : index
    %get3A_4 = vector.load %arg2[%get3A_2, %get3A_3] : memref<256x512xf32, #tpu.memory_space<vmem>>, vector<256x512xf32>
    %slice3A = vector.extract_strided_slice %get3A_4 {offsets = [0, 0], sizes = [256, 256], strides = [1, 1]} : vector<256x512xf32> to vector<256x256xf32>
    %dot_general3A = arith.constant dense<0.000000e+00> : vector<400x256xf32>
    %dot_general3A_5 = tpu.matmul %get3A_1, %slice3A, %dot_general3A {dimension_numbers = #tpu.dot_dimension_numbers<[1], [1], [0], [0], [0, 0, 1, 0], [], []>, transpose_lhs_hint = false} : vector<400x256xf32>, vector<256x256xf32>, vector<400x256xf32> -> vector<400x256xf32>
    %swap3A = arith.constant 0 : index
    %swap3A_6 = arith.constant 0 : index
    %swap3A_7 = vector.load %arg3[%swap3A, %swap3A_6] : memref<400x256xf32, #tpu.memory_space<vmem>>, vector<400x256xf32>
    tpu.vector_store %arg3[%swap3A, %swap3A_6], %dot_general3A_5 {strides = array<i32>} : memref<400x256xf32, #tpu.memory_space<vmem>>, vector<400x256xf32>,
    return
  }
  func.func @transform_0(%arg0: i32) -> (i32, i32) {
    %c0_i32 = arith.constant 0 : i32
    %c0_i32_0 = arith.constant 0 : i32
    return %arg0, %c0_i32 : i32, i32
  }
  func.func @transform_1(%arg0: i32) -> (i32, i32) {
    %c0_i32 = arith.constant 0 : i32
    %c0_i32_0 = arith.constant 0 : i32
    %c0_i32_1 = arith.constant 0 : i32
    return %c0_i32, %c0_i32_0 : i32, i32
  }
  func.func @transform_2(%arg0: i32) -> (i32, i32) {
    %c0_i32 = arith.constant 0 : i32
    %c0_i32_0 = arith.constant 0 : i32
    return %arg0, %c0_i32 : i32, i32
  }
}

module attributes {stable_mosaic.version = 14 : i64} {
  func.func @_tc_dense_body(%arg0: i32, %arg1: memref<400x256xf32, #tpu.memory_space<vmem>>, %arg2: memref<400x128xf32, #tpu.memory_space<vmem>>, %arg3: memref<400x128xf32, #tpu.memory_space<vmem>>, %arg4: memref<400x2xf32, #tpu.memory_space<vmem>>, %arg5: memref<256x512xf32, #tpu.memory_space<vmem>>, %arg6: memref<1x256xf32, #tpu.memory_space<vmem>>, %arg7: memref<1x256xf32, #tpu.memory_space<vmem>>, %arg8: memref<1x256xf32, #tpu.memory_space<vmem>>, %arg9: memref<400x256xf32, #tpu.memory_space<vmem>>) attributes {dimension_semantics = [#tpu.dimension_semantics<arbitrary>], iteration_bounds = array<i64: 25>, scalar_prefetch = 0 : i64, scratch_operands = 0 : i64, tpu.core_type = #tpu.core_type<tc>, window_params = [{transform_indices = @transform_0, window_bounds = array<i64: 400, 256>}, {transform_indices = @transform_1, window_bounds = array<i64: 400, 128>}, {transform_indices = @transform_2, window_bounds = array<i64: 400, 128>}, {transform_indices = @transform_3, window_bounds = array<i64: 400, 2>}, {pipeline_mode = #tpu.pipeline_mode<synchronous>, transform_indices = @transform_4, window_bounds = array<i64: 256, 512>}, {pipeline_mode = #tpu.pipeline_mode<synchronous>, transform_indices = @transform_5, window_bounds = array<i64: 1, 256>}, {pipeline_mode = #tpu.pipeline_mode<synchronous>, transform_indices = @transform_6, window_bounds = array<i64: 1, 256>}, {pipeline_mode = #tpu.pipeline_mode<synchronous>, transform_indices = @transform_7, window_bounds = array<i64: 1, 256>}, {transform_indices = @transform_8, window_bounds = array<i64: 400, 256>}]} {
    %get3A = arith.constant 0 : index
    %get3A_0 = arith.constant 0 : index
    %get3A_1 = vector.load %arg4[%get3A, %get3A_0] : memref<400x2xf32, #tpu.memory_space<vmem>>, vector<400x2xf32>
    %slice3A = vector.extract_strided_slice %get3A_1 {offsets = [0, 0], sizes = [400, 1], strides = [1, 1]} : vector<400x2xf32> to vector<400x1xf32>
    %slice3A_2 = vector.extract_strided_slice %get3A_1 {offsets = [0, 1], sizes = [400, 1], strides = [1, 1]} : vector<400x2xf32> to vector<400x1xf32>
    %add3A = arith.addf %slice3A, %slice3A_2 : vector<400x1xf32>
    %gt3A = arith.constant 0.000000e+00 : f32
    %gt3A_3 = vector.broadcast %gt3A : f32 to vector<400x1xf32>
    %gt3A_4 = arith.cmpf ogt, %add3A, %gt3A_3 : vector<400x1xf32>
    %max3A = arith.constant 1.000000e+00 : f32
    %max3A_5 = vector.broadcast %max3A : f32 to vector<400x1xf32>
    %max3A_6 = arith.maximumf %add3A, %max3A_5 : vector<400x1xf32>
    %div3A = arith.constant 1.000000e+00 : f32
    %div3A_7 = vector.broadcast %div3A : f32 to vector<400x1xf32>
    %div3A_8 = arith.divf %div3A_7, %max3A_6 : vector<400x1xf32>
    %jit3A = arith.constant 0.000000e+00 : f32
    %broadcast_in_dim3A = vector.broadcast %jit3A : f32 to vector<400x1xf32>
    %select_n3A = arith.select %gt3A_4, %div3A_8, %broadcast_in_dim3A : vector<400x1xi1>, vector<400x1xf32>
    %get3A_9 = arith.constant 0 : index
    %get3A_10 = arith.constant 0 : index
    %get3A_11 = vector.load %arg5[%get3A_9, %get3A_10] : memref<256x512xf32, #tpu.memory_space<vmem>>, vector<256x512xf32>
    %get3A_12 = arith.constant 0 : index
    %get3A_13 = arith.constant 0 : index
    %get3A_14 = vector.load %arg1[%get3A_12, %get3A_13] : memref<400x256xf32, #tpu.memory_space<vmem>>, vector<400x256xf32>
    %get3A_15 = arith.constant 0 : index
    %get3A_16 = arith.constant 0 : index
    %get3A_17 = vector.load %arg2[%get3A_15, %get3A_16] : memref<400x128xf32, #tpu.memory_space<vmem>>, vector<400x128xf32>
    %mul3A = vector.broadcast %select_n3A : vector<400x1xf32> to vector<400x128xf32>
    %mul3A_18 = arith.mulf %get3A_17, %mul3A : vector<400x128xf32>
    %slice3A_19 = vector.extract_strided_slice %get3A_11 {offsets = [0, 256], sizes = [256, 128], strides = [1, 1]} : vector<256x512xf32> to vector<256x128xf32>
    %dot_general3A = arith.constant dense<0.000000e+00> : vector<400x256xf32>
    %dot_general3A_20 = tpu.matmul %mul3A_18, %slice3A_19, %dot_general3A {dimension_numbers = #tpu.dot_dimension_numbers<[1], [1], [0], [0], [0, 0, 1, 0], [], []>, transpose_lhs_hint = false} : vector<400x128xf32>, vector<256x128xf32>, vector<400x256xf32> -> vector<400x256xf32>
    %add3A_21 = arith.addf %get3A_14, %dot_general3A_20 : vector<400x256xf32>
    %get3A_22 = arith.constant 0 : index
    %get3A_23 = arith.constant 0 : index
    %get3A_24 = vector.load %arg3[%get3A_22, %get3A_23] : memref<400x128xf32, #tpu.memory_space<vmem>>, vector<400x128xf32>
    %mul3A_25 = vector.broadcast %select_n3A : vector<400x1xf32> to vector<400x128xf32>
    %mul3A_26 = arith.mulf %get3A_24, %mul3A_25 : vector<400x128xf32>
    %slice3A_27 = vector.extract_strided_slice %get3A_11 {offsets = [0, 384], sizes = [256, 128], strides = [1, 1]} : vector<256x512xf32> to vector<256x128xf32>
    %dot_general3A_28 = arith.constant dense<0.000000e+00> : vector<400x256xf32>
    %dot_general3A_29 = tpu.matmul %mul3A_26, %slice3A_27, %dot_general3A_28 {dimension_numbers = #tpu.dot_dimension_numbers<[1], [1], [0], [0], [0, 0, 1, 0], [], []>, transpose_lhs_hint = false} : vector<400x128xf32>, vector<256x128xf32>, vector<400x256xf32> -> vector<400x256xf32>
    %add3A_30 = arith.addf %add3A_21, %dot_general3A_29 : vector<400x256xf32>
    %get3A_31 = arith.constant 0 : index
    %get3A_32 = arith.constant 0 : index
    %get3A_33 = vector.load %arg6[%get3A_31, %get3A_32] : memref<1x256xf32, #tpu.memory_space<vmem>>, vector<1x256xf32>
    %add3A_34 = vector.broadcast %get3A_33 : vector<1x256xf32> to vector<400x256xf32>
    %add3A_35 = arith.addf %add3A_30, %add3A_34 : vector<400x256xf32>
    %reduce_sum3A = arith.constant dense<0.000000e+00> : vector<400xf32>
    %reduce_sum3A_36 = vector.multi_reduction <add>, %add3A_35, %reduce_sum3A [1] : vector<400x256xf32> to vector<400xf32>
    %broadcast_in_dim3A_37 = vector.shape_cast %reduce_sum3A_36 : vector<400xf32> to vector<400x1xf32>
    %div3A_38 = arith.constant 2.560000e+02 : f32
    %div3A_39 = vector.broadcast %div3A_38 : f32 to vector<400x1xf32>
    %div3A_40 = arith.divf %broadcast_in_dim3A_37, %div3A_39 : vector<400x1xf32>
    %sub3A = vector.broadcast %div3A_40 : vector<400x1xf32> to vector<400x256xf32>
    %sub3A_41 = arith.subf %add3A_35, %sub3A : vector<400x256xf32>
    %mul3A_42 = arith.mulf %sub3A_41, %sub3A_41 : vector<400x256xf32>
    %reduce_sum3A_43 = arith.constant dense<0.000000e+00> : vector<400xf32>
    %reduce_sum3A_44 = vector.multi_reduction <add>, %mul3A_42, %reduce_sum3A_43 [1] : vector<400x256xf32> to vector<400xf32>
    %broadcast_in_dim3A_45 = vector.shape_cast %reduce_sum3A_44 : vector<400xf32> to vector<400x1xf32>
    %div3A_46 = arith.constant 2.560000e+02 : f32
    %div3A_47 = vector.broadcast %div3A_46 : f32 to vector<400x1xf32>
    %div3A_48 = arith.divf %broadcast_in_dim3A_45, %div3A_47 : vector<400x1xf32>
    %add3A_49 = arith.constant 9.99999974E-6 : f32
    %add3A_50 = vector.broadcast %add3A_49 : f32 to vector<400x1xf32>
    %add3A_51 = arith.addf %div3A_48, %add3A_50 : vector<400x1xf32>
    %sqrt3A = math.sqrt %add3A_51 : vector<400x1xf32>
    %div3A_52 = vector.broadcast %sqrt3A : vector<400x1xf32> to vector<400x256xf32>
    %div3A_53 = arith.divf %sub3A_41, %div3A_52 : vector<400x256xf32>
    %get3A_54 = arith.constant 0 : index
    %get3A_55 = arith.constant 0 : index
    %get3A_56 = vector.load %arg7[%get3A_54, %get3A_55] : memref<1x256xf32, #tpu.memory_space<vmem>>, vector<1x256xf32>
    %mul3A_57 = vector.broadcast %get3A_56 : vector<1x256xf32> to vector<400x256xf32>
    %mul3A_58 = arith.mulf %div3A_53, %mul3A_57 : vector<400x256xf32>
    %get3A_59 = arith.constant 0 : index
    %get3A_60 = arith.constant 0 : index
    %get3A_61 = vector.load %arg8[%get3A_59, %get3A_60] : memref<1x256xf32, #tpu.memory_space<vmem>>, vector<1x256xf32>
    %add3A_62 = vector.broadcast %get3A_61 : vector<1x256xf32> to vector<400x256xf32>
    %add3A_63 = arith.addf %mul3A_58, %add3A_62 : vector<400x256xf32>
    %max3A_64 = arith.constant 0.000000e+00 : f32
    %max3A_65 = vector.broadcast %max3A_64 : f32 to vector<400x256xf32>
    %max3A_66 = arith.maximumf %add3A_63, %max3A_65 : vector<400x256xf32>
    %swap3A = arith.constant 0 : index
    %swap3A_67 = arith.constant 0 : index
    %swap3A_68 = vector.load %arg9[%swap3A, %swap3A_67] : memref<400x256xf32, #tpu.memory_space<vmem>>, vector<400x256xf32>
    tpu.vector_store %arg9[%swap3A, %swap3A_67], %max3A_66 {strides = array<i32>} : memref<400x256xf32, #tpu.memory_space<vmem>>, vector<400x256xf32>,
    return
  }
  func.func @transform_0(%arg0: i32) -> (i32, i32) {
    %c0_i32 = arith.constant 0 : i32
    %c0_i32_0 = arith.constant 0 : i32
    return %arg0, %c0_i32 : i32, i32
  }
  func.func @transform_1(%arg0: i32) -> (i32, i32) {
    %c0_i32 = arith.constant 0 : i32
    %c0_i32_0 = arith.constant 0 : i32
    return %arg0, %c0_i32 : i32, i32
  }
  func.func @transform_2(%arg0: i32) -> (i32, i32) {
    %c0_i32 = arith.constant 0 : i32
    %c0_i32_0 = arith.constant 0 : i32
    return %arg0, %c0_i32 : i32, i32
  }
  func.func @transform_3(%arg0: i32) -> (i32, i32) {
    %c0_i32 = arith.constant 0 : i32
    %c0_i32_0 = arith.constant 0 : i32
    return %arg0, %c0_i32 : i32, i32
  }
  func.func @transform_4(%arg0: i32) -> (i32, i32) {
    %c0_i32 = arith.constant 0 : i32
    %c0_i32_0 = arith.constant 0 : i32
    %c0_i32_1 = arith.constant 0 : i32
    return %c0_i32, %c0_i32_0 : i32, i32
  }
  func.func @transform_5(%arg0: i32) -> (i32, i32) {
    %c0_i32 = arith.constant 0 : i32
    %c0_i32_0 = arith.constant 0 : i32
    %c0_i32_1 = arith.constant 0 : i32
    return %c0_i32, %c0_i32_0 : i32, i32
  }
  func.func @transform_6(%arg0: i32) -> (i32, i32) {
    %c0_i32 = arith.constant 0 : i32
    %c0_i32_0 = arith.constant 0 : i32
    %c0_i32_1 = arith.constant 0 : i32
    return %c0_i32, %c0_i32_0 : i32, i32
  }
  func.func @transform_7(%arg0: i32) -> (i32, i32) {
    %c0_i32 = arith.constant 0 : i32
    %c0_i32_0 = arith.constant 0 : i32
    %c0_i32_1 = arith.constant 0 : i32
    return %c0_i32, %c0_i32_0 : i32, i32
  }
  func.func @transform_8(%arg0: i32) -> (i32, i32) {
    %c0_i32 = arith.constant 0 : i32
    %c0_i32_0 = arith.constant 0 : i32
    return %arg0, %c0_i32 : i32, i32
  }
}

</mosaic_0001>

<sc_bundles>
// kernel: kernel.5.cloned.1.call-start
scs
__scs_entry_jumppad:
0x0: {  	(pc) =	sbr.rel $0x88, $3  }
0x1: {  	(tag) =	ssettag $0x0;
	lr =	simm.s32 $0x1  }
0x2: {  	[smem:$0x3F9B] =	sst lr;
	_ =	strace $0xD0000000  }
0x3: {  	_ = 	snop  }
0x4: {  	_ = 	snop  }
0x5: {  	_ = 	snop  }
0x6: {  	_ = 	snop  }
0x7: {  	_ = 	snop  }
__scs_overlays_trampoline_lowered:
0x8: {  	[smem:$0x3FAA] =	sst s0  }
0x9: {  	[smem:$0x3FAB] =	sst s1  }
0xa: {  	[smem:$0x3FAC] =	sst s2  }
0xb: {  	[smem:$0x3FAD] =	sst s3  }
0xc: {  	[smem:$0x3FAE] =	sst s4  }
0xd: {  	[smem:$0x3FAF] =	sst s5  }
0xe: {  	[smem:$0x3FB0] =	sst s6  }
0xf: {  	[smem:$0x3FB1] =	sst s7  }
0x10: {  	[smem:$0x3FB2] =	sst s8  }
0x11: {  	[smem:$0x3FB3] =	sst s9;
	s0 =	simm.s32 @!p0 $0x0  }
0x12: {  	s1 =	sld [smem:$0x3F99];
	s0 =	simm.s32 @p0 $0x1  }
0x13: {  	[smem:$0x3FB4] =	sst s0;
	s0 =	simm.s32 @!p1 $0x0  }
0x14: {  	s2 =	sld [smem:$0x3F98];
	s0 =	simm.s32 @p1 $0x1  }
0x15: {  	[smem:$0x3FB5] =	sst s0;
	s0 =	simm.s32 @!p2 $0x0  }
0x16: {  	s3 =	sld [smem:$0x3FDB];
	s0 =	simm.s32 @p2 $0x1  }
0x17: {  	s4 =	simm.s32 $0x1BF5;
	[smem:$0x3FB7] =	sst s0  }
0x18: {  	s0 =	sld [smem:$0x3F9A];
	_ =	swait.ge [sflag:s4], $0x0  }
0x19: {  	s7 =	sld [smem:$0x3F9B]  }
0x1a: {  	s8 =	sadd.s32 $0xFFFFE003, lr  }
0x1b: {  	s9 =	sadd.s32 $0xFFFFFEF7, lr;
	s5 =	simm.s32 $0xFFFFFFFF;
	p2 =	slt.u32 s8, $0xFFFFF086  }
0x1c: {  	p1 =	slt.u32 s9, $0xF7A;
	s5 =	simm.s32 @!p2 $0x0  }
0x1d: {  	s5 =	simm.s32 @p1 $0x1;
	p0 =	seq.s32 s7, s2  }
0x1e: {  	s7 =	smul.u32 @!p0 $0xF7A, s2;
	p2 =	seq.s32 @!p0 s5, $0x0  }
0x1f: {  	s9 =	smul.u32 $0xF7A, s1;
	s8 =	simm.s32 @!p0 $0x1BF5;
	p2 =	por !p2, p0  }
0x20: {  	[sflag:s8] =	ssyncset.s32 @!p0 $0xFFFFF086;
	s6 =	sadd.s32 @!p0 s3, s7;
	s7 =	simm.s32 @!p0 $0x108  }
0x21: {  	s3 =	sadd.s32 s3, s9;
	s6 =	sadd.s32 @!p0 $0x88, s6;
	s7 =	simm.s32 @p2 $0x1082  }
0x22: {  	[simem:s7], [sflag:s8] =	dma.local @!p0 [hbm:s6], $0xF7A  }
0x23: {  	s9 =	sor.u32 $0xD0000000, s2;
	s6 =	simm.s32 $0x108;
	_ =	swait.ge @!p0 [sflag:s8], $0x0  }
0x24: {  	s3 =	sadd.s32 $0x88, s3;
	s6 =	simm.s32 @!p1 $0x1082;
	[sflag:s4] =	ssyncset.s32 $0xFFFFF086  }
0x25: {  	[simem:s6], [sflag:s4] =	dma.local [hbm:s3], $0xF7A  }
0x26: {  	[smem:$0x3F9B] =	sst s1;
	(tag) =	ssettag s2;
	_ =	strace s9  }
0x27: {  	s1 =	sld [smem:$0x3FAB]  }
0x28: {  	s2 =	sld [smem:$0x3FAC]  }
0x29: {  	s4 =	sld [smem:$0x3FAE]  }
0x2a: {  	p0 =	seq.s32 s5, $0x0;
	s5 =	sld [smem:$0x3FAF]  }
0x2b: {  	s6 =	sld [smem:$0x3FB0]  }
0x2c: {  	s7 =	sld [smem:$0x3FB1]  }
0x2d: {  	s3 =	simm.s32 $0x108;
	s8 =	sld [smem:$0x3FB2]  }
0x2e: {  	s3 =	simm.s32 @!p0 $0x1082;
	s9 =	sld [smem:$0x3FB3]  }
0x2f: {  	lr =	sadd.s32 s0, s3;
	s0 =	sld [smem:$0x3FAA]  }
0x30: {  	s3 =	sld [smem:$0x3FAD]  }
0x31: {  	[smem:$0x3FB6] =	sst s10  }
0x32: {  	s10 =	sld [smem:$0x3FB4];
	_ =	sdelay $0x3  }
0x33: {  	p0 =	seq.s32 s10, $0x1;
	s10 =	sld [smem:$0x3FB6];
	_ =	sdelay $0x3  }
0x34: {  	[smem:$0x3FB6] =	sst s10  }
0x35: {  	s10 =	sld [smem:$0x3FB5];
	_ =	sdelay $0x3  }
0x36: {  	p1 =	seq.s32 s10, $0x1;
	s10 =	sld [smem:$0x3FB6];
	_ =	sdelay $0x3  }
0x37: {  	[smem:$0x3FB6] =	sst s10  }
0x38: {  	s10 =	sld [smem:$0x3FB7]  }
0x39: {  	_ = 	snop;
	(pc) =	sbr.ind lr, $3  }
0x3a: {  	_ = 	snop  }
0x3b: {  	_ = 	snop  }
0x3c: {  	p2 =	seq.s32 s10, $0x1;
	s10 =	sld [smem:$0x3FB6]  }
0x3d: {  	_ =	shalt  }
0x3e: {  	_ =	shalt  }
0x3f: {  	_ =	shalt  }
0x40: {  	_ =	shalt  }
0x41: {  	_ =	shalt  }
0x42: {  	_ =	shalt  }
0x43: {  	_ =	shalt  }
0x44: {  	_ =	shalt  }
0x45: {  	_ =	shalt  }
0x46: {  	_ =	shalt  }
0x47: {  	_ =	shalt  }
0x48: {  	_ =	shalt  }
0x49: {  	_ =	shalt  }
0x4a: {  	_ =	shalt  }
0x4b: {  	_ =	shalt  }
0x4c: {  	_ =	shalt  }
0x4d: {  	_ =	shalt  }
0x4e: {  	_ =	shalt  }
0x4f: {  	_ =	shalt  }
0x50: {  	_ =	shalt  }
0x51: {  	_ =	shalt  }
0x52: {  	_ =	shalt  }
0x53: {  	_ =	shalt  }
0x54: {  	_ =	shalt  }
0x55: {  	_ =	shalt  }
0x56: {  	_ =	shalt  }
0x57: {  	_ =	shalt  }
0x58: {  	_ =	shalt  }
0x59: {  	_ =	shalt  }
0x5a: {  	_ =	shalt  }
0x5b: {  	_ =	shalt  }
0x5c: {  	_ =	shalt  }
0x5d: {  	_ =	shalt  }
0x5e: {  	_ =	shalt  }
0x5f: {  	_ =	shalt  }
0x60: {  	_ =	shalt  }
0x61: {  	_ =	shalt  }
0x62: {  	_ =	shalt  }
0x63: {  	_ =	shalt  }
0x64: {  	_ =	shalt  }
0x65: {  	_ =	shalt  }
0x66: {  	_ =	shalt  }
0x67: {  	_ =	shalt  }
0x68: {  	_ =	shalt  }
0x69: {  	_ =	shalt  }
0x6a: {  	_ =	shalt  }
0x6b: {  	_ =	shalt  }
0x6c: {  	_ =	shalt  }
0x6d: {  	_ =	shalt  }
0x6e: {  	_ =	shalt  }
0x6f: {  	_ =	shalt  }
0x70: {  	_ =	shalt  }
0x71: {  	_ =	shalt  }
0x72: {  	_ =	shalt  }
0x73: {  	_ =	shalt  }
0x74: {  	_ =	shalt  }
0x75: {  	_ =	shalt  }
0x76: {  	_ =	shalt  }
0x77: {  	_ =	shalt  }
0x78: {  	_ =	shalt  }
0x79: {  	_ =	shalt  }
0x7a: {  	_ =	shalt  }
0x7b: {  	_ =	shalt  }
0x7c: {  	_ =	shalt  }
0x7d: {  	_ =	shalt  }
0x7e: {  	_ =	shalt  }
0x7f: {  	_ =	shalt  }
0x80: {  	_ =	shalt  }
0x81: {  	_ =	shalt  }
0x82: {  	_ =	shalt  }
0x83: {  	_ =	shalt  }
0x84: {  	_ =	shalt  }
0x85: {  	_ =	shalt  }
0x86: {  	_ =	shalt  }
0x87: {  	_ =	shalt  }
.Lfunc_end0:
.L_simem_size_0:
called_computation_lowered:
.L_overlay_start_0:
0x88: {  	s2 =	sld [smem:$0x3FD9]  }
0x89: {  	s3 =	sld [smem:$0x3FFE];
	_ =	sdelay $0x1  }
0x8a: {  	s1 =	srdreg.scid  }
0x8b: {  	s0 =	sand.u32 $0x1, s1  }
0x8c: {  	s17 =	sshll.u32 s0, $0xA;
	s2 =	sadd.s32 s3, s2  }
0x8d: {  	s2 =	sadd.s32 s2, s17  }
0x8e: {  	[smem:$0x3FC2] =	sst s2  }
0x8f: {  	_ = 	snop  }
0x90: {  	s2 =	sld [smem:$0x3FC9]  }
0x91: {  	s18 =	sld [smem:$0x3FD0];
	(tm) =	ssettm $0x1  }
0x92: {  	s4 =	sld [smem:$0x3FFB];
	_ =	sdelay $0x3  }
0x93: {  	_ =	strace s4  }
0x94: {  	s4 =	sld [smem:$0x3FFC];
	_ =	sdelay $0x3  }
0x95: {  	_ =	strace s4  }
0x96: {  	s4 =	sld [smem:$0x3FFD];
	_ =	sdelay $0x3  }
0x97: {  	_ =	strace s4  }
0x98: {  	_ =	strace $0x8FFFFFFF  }
0x99: {  	s19 =	sld [smem:$0x3FDB];
	_ =	sdelay $0x1  }
0x9a: {  	s5 =	simm.s32 $_scs_section_size  }
0x9b: {  	s6 =	simm.s32 $_size__tile_overlayer_lowered;
	s7 =	simm.s32 $_tile_overlayer_lowered  }
0x9c: {  	s22 =	simm.s32 $0x1BFF;
	s21 =	sshll.u32 s7, $0x1;
	s4 =	sadd.s32 s5, s19  }
0x9d: {  	s8 =	simm.s32 $0x0;
	s20 =	sshll.u32 s6, $0x1;
	s6 =	sadd.s32 s21, s4  }
0x9e: {  	[timem:s8], [sflag:s22] =	dma.local [hbm:s6], s20  }
0x9f: {  	_ =	swait.ge [sflag:s22], s20  }
0xa0: {  	s5 =	ssub.s32 $0x0, s20;
	[sflag:s22] =	ssyncset.done $0x0  }
0xa1: {  	[sflag:s22] =	ssyncadd.s32 s5;
	_ =	sdelay $0x1  }
0xa2: {  	s23 =	simm.s32 $0x1B8B  }
0xa3: {  	_ =	swait.ge [sflag:s23], $0x1  }
0xa4: {  	[sflag:s23] =	ssyncset.done $0x0  }
0xa5: {  	s25 =	simm.s32 $0x1B8E;
	s24 =	sld [smem:$0x3FFE];
	[sflag:s23] =	ssyncadd.s32 $0xFFFFFFFF  }
0xa6: {  	s26 =	simm.s32 $execute0_lowered;
	[smem:$0x3FD2] =	sst s25  }
0xa7: {  	s6 =	sshll.u32 s26, $0x1;
	_ =	strace $0x80000046;
	[dreg:$0x1] =	wrdreg $0xFFFFFFFF  }
0xa8: {  	s28 =	simm.s32 $_size_execute0_lowered;
	s4 =	sadd.s32 s4, s6;
	[dreg:$0x0] =	wrdreg $0x0  }
0xa9: {  	s6 =	sshll.u32 s28, $0x1;
	[dreg:$0x2] =	wrdreg s4  }
0xaa: {  	[dreg:$0x3] =	wrdreg s6  }
0xab: {  	[dreg:$0x4] =	wrdreg $0xC0  }
0xac: {  	_ =	task [dreg:s8], $0x5FFFF  }
0xad: {  	[dreg:$0x1] =	wrdreg $0xFFFFFFFF  }
0xae: {  	[dreg:$0x0] =	wrdreg $0x60  }
0xaf: {  	[dreg:$0x2] =	wrdreg s2  }
0xb0: {  	[dreg:$0x3] =	wrdreg s18  }
0xb1: {  	[dreg:$0x4] =	wrdreg s24  }
0xb2: {  	[dreg:$0x5] =	wrdreg $0xAC000  }
0xb3: {  	[dreg:$0x6] =	wrdreg $0x1EC000  }
0xb4: {  	[dreg:$0x7] =	wrdreg $0x9  }
0xb5: {  	_ =	task.clear_ibuf [dreg:s8], $0x8FFFF;
	_ =	strace $0x90000046  }
0xb6: {  	s29 =	simm.s32 $0x9;
	_ =	strace $0x80000048  }
0xb7: {  	_ =	swait.ge [sflag:s29], $0x1  }
0xb8: {  	[sflag:s29] =	ssyncadd.s32 $0xFFFFFFFF  }
0xb9: {  	_ =	strace $0x90000048  }
0xba: {  	_ =	sfence  }
0xbb: {  	s30 =	sld [smem:$0x0];
	_ =	sdelay $0x2  }
0xbc: {  	s31 =	sshll.u32 s1, $0xD;
	s1 =	sshrl.u32 s1, $0x2  }
0xbd: {  	s3 =	sand.u32 $0x4000, s31;
	s1 =	sadd.s32 s1, s30  }
0xbe: {  	s0 =	sor.u32 s3, s0;
	s1 =	sshll.u32 s1, $0x11  }
0xbf: {  	s0 =	sor.u32 s1, s0  }
0xc0: {  	s0 =	sadd.s32 $0x8F2B, s0  }
0xc1: {  	[sflag:s0] =	ssyncadd.remote.s32 $0x1  }
0xc2: {  	_ =	sfence.sel $0xFFFF  }
0xc3: {  	[dreg:$0x0] =	wrdreg $0xFFFFFFFF;
	(pc) =	sbr.abs _section_cstart, $3  }
0xc4: {  	[dreg:$0x1] =	wrdreg $0xFFFFFFFF  }
0xc5: {  	_ =	task.clear_ibuf [dreg:s8], $0x2FFFF;
	_ =	strace $0x9FFFFFFF  }
0xc6: {  	(tm) =	ssettm $0x7FFFFFFF  }
0xc7: {  	_ =	shalt  }
tec
execute0_lowered:
.L_overlay_start_1:
0x0: {  	(tag) =	ssettag $0x1  }
0x1: {  	s0 =	rddreg [dreg:$0x0]  }
0x2: {  	s1 =	rddreg [dreg:$0x1]  }
0x3: {  	s5 =	rddreg [dreg:$0x2]  }
0x4: {  	s2 =	rddreg [dreg:$0x3];
	s15 =	stileid.u32  }
0x5: {  	s4 =	srdreg.scid;
	s8 =	smul.u32 $0x14000, s15  }
0x6: {  	s3 =	rddreg [dreg:$0x4];
	s9 =	smul.u32 $0x500, s15  }
0x7: {  	s31 =	simm.s32 $0x3;
	s29 =	simm.s32 $0x2800;
	s12 =	smul.u32 $0x50000, s15  }
0x8: {  	s30 =	simm.s32 $0x6900;
	s28 =	simm.s32 $0x1;
	s14 =	smul.u32 $0xA00, s15  }
0x9: {  	s6 =	sand.u32 $0x1, s4;
	s4 =	simm.s32 $0x0;
	s26 =	smul.u32 $0x2800, s15  }
0xa: {  	s11 =	sadd.s32 $0x1A00, s5;
	s7 =	smul.u32 $0x140000, s6;
	[smem:$0x7FF] =	sst s4  }
0xb: {  	s10 =	sshll.u32 s6, $0x7;
	s25 =	ssub.s32 $0x2, s6;
	p0 =	seq.s32 s6, $0x0  }
0xc: {  	s6 =	simm.s32 $0xA680;
	_ =	strace $0x80000047;
	s24 =	sor.u32 s10, s9  }
0xd: {  	s13 =	sshrl.u32 s25, $0x1;
	s12 =	sshrl.u32 s12, $0x2;
	s19 =	sshrl.u32 s14, $0x2  }
0xe: {  	s21 =	sshrl.u32 s26, $0x3;
	s14 =	simm.s32 $0xA300;
	s7 =	sadd.s32 s8, s7  }
0xf: {  	s8 =	sshrl.u32 s24, $0x3;
	s20 =	sadd.s32 s12, s2;
	s1 =	sadd.s32 s1, s21  }
0x10: {  	s24 =	sadd.s32 s19, s3;
	s22 =	sadd.s32 s11, s21;
	[dreg:$0xc] =	wrdreg s1  }
0x11: {  	s12 =	sadd.s32 s0, s10;
	s10 =	simm.s32 $0xA180;
	[dreg:$0xd] =	wrdreg s22  }
0x12: {  	s21 =	simm.s32 $0x4;
	s7 =	sshrl.u32 s7, $0x3;
	[dreg:$0x6] =	wrdreg s20  }
0x13: {  	s15 =	sadd.s32 $0x4000, s20;
	s16 =	sadd.s32 $0x8000, s20;
	[dreg:$0xb] =	wrdreg s24  }
0x14: {  	s17 =	sadd.s32 $0xC000, s20;
	s18 =	sadd.s32 $0x10000, s20;
	[dreg:$0x7] =	wrdreg s15  }
0x15: {  	s22 =	simm.s32 $0x2;
	s1 =	simm.s32 $0x0;
	[dreg:$0x8] =	wrdreg s16  }
0x16: {  	s7 =	sadd.s32 s7, s5;
	s5 =	sadd.s32 s8, s5;
	[dreg:$0x9] =	wrdreg s17  }
0x17: {  	v0 =	vimm.f32 $0.0e+00;
	v1 =	vimm.f32 $1.000000000e+00;
	v2 =	vimm.s32 $0x7;
	s8 =	ssub.s32 s25, s13;
	[dreg:$0xa] =	wrdreg s18;
	s17 =	sadd.s32 s9, s11  }
0x18: {  	v3 =	vimm.s32 $0x1;
	v4 =	vimm.s32 $0x0;
	v5 =	vlaneseq.u32;
	s18 =	simm.s32 $0x2900;
	s9 =	simm.s32 $0xA580;
	s11 =	simm.s32 $0xA380  }
.Ltmp0:
0x19: {  	vm0 =	vmmov $0x1;
	v6 =	vimm.s32 $0x2;
	v7 =	vimm.s32 $0x3;
	s13 =	simm.s32 $0xA280;
	s15 =	simm.s32 $0xA080;
	(pc) =	sbr.rel .LBB2_1-.Ltmp0, $4  }
0x1a: {  	v8 =	vimm.s32 $0x4;
	v9 =	vimm.s32 $0x5;
	v10 =	vimm.s32 $0x6;
	s16 =	simm.s32 $0xA100;
	s23 =	sadd.s32 $0x6A00, s7;
	s25 =	sadd.s32 $0x56A00, s5  }
0x1b: {  	v11 =	vimm.s32 $0x8;
	v12 =	vimm.s32 $0x9;
	v13 =	vimm.s32 $0xA;
	s26 =	smax.u32 s8, $0x1;
	s7 =	simm.s32 $0xA600;
	[dreg:$0xe] =	wrdreg s23  }
0x1c: {  	v14 =	vimm.s32 $0xB;
	v15 =	vimm.s32 $0xC;
	v16 =	vimm.s32 $0xD;
	s8 =	simm.s32 $0xA500;
	s5 =	simm.s32 $0xA200;
	[dreg:$0xf] =	wrdreg s25  }
0x1d: {  	v17 =	vimm.s32 $0xE;
	v18 =	vimm.s32 $0xF;
	v5 =	vmul.u32 $0x8, v5;
	[dreg:$0x10] =	wrdreg s26;
	s25 =	simm.s32 $0x80;
	s26 =	simm.s32 $0x2880  }
.LBB2_7:
0x1e: {  	s0 =	stileid.u32;
	[bflag:$0x0] =	sbarrier.arrive $0xFFFF  }
0x1f: {  	s31 =	simm.s32 $0x3;
	s0 =	sshll.u32 s0, $0x6;
	s20 =	rddreg [dreg:$0x6]  }
0x20: {  	s19 =	rddreg [dreg:$0xe];
	s0 =	sor.u32 $0x1C03, s0;
	s1 =	sshrl.u32 s20, $0x3  }
0x21: {  	[hbm:s19], [sflag:s0] =	dma.local [spmem:s1], $0x2800  }
0x22: {  	s23 =	simm.s32 $0x20;
	_ =	swait.ge [sflag:s31], $0x2800  }
0x23: {  	s6 =	simm.s32 $0x10;
	[sflag:s31] =	ssyncset.done $0x0;
	s24 =	rddreg [dreg:$0xb]  }
0x24: {  	s19 =	rddreg [dreg:$0xf];
	[sflag:s31] =	ssyncadd.s32 $0xFFFFD800;
	s1 =	sshrl.u32 s24, $0x3  }
0x25: {  	[hbm:s19@s23], [sflag:s0] =	dma.strided [spmem:s1@s6], $0x50, s28, $0x10   }
0x26: {  	_ =	swait.ge [sflag:s31], $0x50  }
0x27: {  	s19 =	rddreg [dreg:$0x11]  }
0x28: {  	s23 =	rddreg [dreg:$0x10];
	s1 =	sadd.s32 $0x1, s19  }
0x29: {  	p1 =	sne.s32 s1, s23  }
.Ltmp1:
0x2a: {  	_ = 	snop;
	(pc) =	sbr.rel @!p1 .LBB2_8-.Ltmp1, $3  }
0x2b: {  	_ =	sdelay $0x1  }
0x2c: {  	[sflag:s31] =	ssyncset.done $0x0  }
0x2d: {  	s6 =	simm.s32 $0xA680;
	[sflag:s31] =	ssyncadd.s32 $0xFFFFFFB0  }
.LBB2_1:
0x2e: {  	s19 =	simm.s32 $0x0;
	s23 =	simm.s32 $0x200  }
.LBB2_2:
0x2f: {  	p1 =	sne.s32 s23, $0xFE00;
	[tilespmem:s19+$0x2970] =	vst v0  }
0x30: {  	[tilespmem:s19+$0x2900] =	vst v0  }
0x31: {  	[tilespmem:s19+$0x2910] =	vst v0  }
.Ltmp2:
0x32: {  	[tilespmem:s19+$0x2920] =	vst v0;
	(pc) =	sbr.rel @p1 .LBB2_2-.Ltmp2, $4  }
0x33: {  	[tilespmem:s19+$0x2930] =	vst v0  }
0x34: {  	[tilespmem:s19+$0x2940] =	vst v0  }
0x35: {  	[tilespmem:s19+$0x2950] =	vst v0  }
0x36: {  	[tilespmem:s19+$0x2960] =	vst v0;
	s19 =	sshra.s32 s23, $0x2;
	s23 =	sadd.s32 $0x200, s23  }
0x37: {  	[tilespmem:s19+$0x2970] =	vst v0  }
0x38: {  	[tilespmem:s19+$0x2900] =	vst v0  }
0x39: {  	[tilespmem:s19+$0x2910] =	vst v0  }
0x3a: {  	[tilespmem:s19+$0x2920] =	vst v0  }
0x3b: {  	[tilespmem:s19+$0x2930] =	vst v0  }
0x3c: {  	[tilespmem:s19+$0x2940] =	vst v0  }
0x3d: {  	[tilespmem:s19+$0x2950] =	vst v0  }
0x3e: {  	[tilespmem:s19+$0x2960] =	vst v0  }
0x3f: {  	[tilespmem:$0xA900] =	vst v1  }
0x40: {  	[tilespmem:$0xA910] =	vst v1  }
0x41: {  	[tilespmem:$0xA920] =	vst v1  }
0x42: {  	[tilespmem:$0xA930] =	vst v1  }
0x43: {  	[tilespmem:$0xA940] =	vst v1  }
0x44: {  	[tilespmem:$0xA950] =	vst v1  }
0x45: {  	[tilespmem:$0xA960] =	vst v1  }
0x46: {  	[tilespmem:$0xA970] =	vst v1  }
0x47: {  	[tilespmem:$0xA980] =	vst v0  }
0x48: {  	[tilespmem:$0xA990] =	vst v0  }
0x49: {  	[tilespmem:$0xA9A0] =	vst v0  }
0x4a: {  	[tilespmem:$0xA9B0] =	vst v0  }
0x4b: {  	[tilespmem:$0xA9C0] =	vst v0  }
0x4c: {  	[tilespmem:$0xA9D0] =	vst v0  }
0x4d: {  	[tilespmem:$0xA9E0] =	vst v0  }
0x4e: {  	[tilespmem:$0xA9F0] =	vst v0  }
0x4f: {  	[tilespmem:$0xAA00] =	vst v0  }
0x50: {  	[tilespmem:$0xAA10] =	vst v0  }
0x51: {  	[tilespmem:$0xAA20] =	vst v0  }
0x52: {  	[tilespmem:$0xAA30] =	vst v0  }
0x53: {  	[tilespmem:$0xAA40] =	vst v0  }
0x54: {  	[tilespmem:$0xAA50] =	vst v0  }
0x55: {  	[tilespmem:$0xAA60] =	vst v0  }
0x56: {  	[tilespmem:$0xAA70] =	vst v0  }
0x57: {  	[tilespmem:$0xAA80] =	vst v0  }
0x58: {  	[tilespmem:$0xAA90] =	vst v0  }
0x59: {  	[tilespmem:$0xAAA0] =	vst v0  }
0x5a: {  	[tilespmem:$0xAAB0] =	vst v0  }
0x5b: {  	[tilespmem:$0xAAC0] =	vst v0  }
0x5c: {  	[tilespmem:$0xAAD0] =	vst v0  }
0x5d: {  	[tilespmem:$0xAAE0] =	vst v0  }
0x5e: {  	[tilespmem:$0xAAF0] =	vst v0  }
0x5f: {  	[tilespmem:$0xAB00] =	vst v0  }
0x60: {  	[tilespmem:$0xAB10] =	vst v0  }
0x61: {  	[tilespmem:$0xAB20] =	vst v0  }
0x62: {  	[tilespmem:$0xAB30] =	vst v0  }
0x63: {  	[tilespmem:$0xAB40] =	vst v0  }
0x64: {  	[tilespmem:$0xAB50] =	vst v0  }
0x65: {  	[tilespmem:$0xAB60] =	vst v0  }
0x66: {  	[tilespmem:$0xAB70] =	vst v0  }
0x67: {  	[tilespmem:$0xAB80] =	vst v0  }
0x68: {  	[tilespmem:$0xAB90] =	vst v0  }
0x69: {  	[tilespmem:$0xABA0] =	vst v0  }
0x6a: {  	[tilespmem:$0xABB0] =	vst v0  }
0x6b: {  	[tilespmem:$0xABC0] =	vst v0  }
0x6c: {  	[tilespmem:$0xABD0] =	vst v0  }
0x6d: {  	[tilespmem:$0xABE0] =	vst v0  }
0x6e: {  	[dreg:$0x11] =	wrdreg s1;
	[tilespmem:$0xABF0] =	vst v0  }
0x6f: {  	[spmem:s20] =	stream.linear.scatter [tilespmem:s18], [sflag:$0x3], $0x4000, $0x38;
	[tilespmem:$0x1EE80] =	vst v63  }
0x70: {  	_ =	swait.ge [sflag:s31], $0x4000  }
0x71: {  	[sflag:s31] =	ssyncset.done $0x0  }
0x72: {  	s0 =	rddreg [dreg:$0x7];
	[sflag:s31] =	ssyncadd.s32 $0xFFFFC000  }
0x73: {  	[spmem:s0] =	stream.linear.scatter [tilespmem:s18], [sflag:$0x3], $0x4000, $0x38;
	[tilespmem:$0x1EE80] =	vst v63  }
0x74: {  	_ =	swait.ge [sflag:s31], $0x4000  }
0x75: {  	[sflag:s31] =	ssyncset.done $0x0  }
0x76: {  	s19 =	rddreg [dreg:$0x8];
	[sflag:s31] =	ssyncadd.s32 $0xFFFFC000  }
0x77: {  	[spmem:s19] =	stream.linear.scatter [tilespmem:s18], [sflag:$0x3], $0x4000, $0x38;
	[tilespmem:$0x1EE80] =	vst v63  }
0x78: {  	_ =	swait.ge [sflag:s31], $0x4000  }
0x79: {  	[sflag:s31] =	ssyncset.done $0x0  }
0x7a: {  	s20 =	rddreg [dreg:$0x9];
	[sflag:s31] =	ssyncadd.s32 $0xFFFFC000  }
0x7b: {  	[spmem:s20] =	stream.linear.scatter [tilespmem:s18], [sflag:$0x3], $0x4000, $0x38;
	[tilespmem:$0x1EE80] =	vst v63  }
0x7c: {  	_ =	swait.ge [sflag:s31], $0x4000  }
0x7d: {  	[sflag:s31] =	ssyncset.done $0x0  }
0x7e: {  	s23 =	rddreg [dreg:$0xa];
	[sflag:s31] =	ssyncadd.s32 $0xFFFFC000  }
0x7f: {  	[spmem:s23] =	stream.linear.scatter [tilespmem:s18], [sflag:$0x3], $0x4000, $0x38;
	[tilespmem:$0x1EE80] =	vst v63  }
0x80: {  	_ =	swait.ge [sflag:s31], $0x4000  }
0x81: {  	[sflag:s31] =	ssyncset.done $0x0  }
0x82: {  	s1 =	simm.s32 $0xA980;
	[sflag:s31] =	ssyncadd.s32 $0xFFFFC000  }
0x83: {  	[spmem:s24] =	stream.linear.scatter [tilespmem:s1], [sflag:$0x3], $0x280, $0x38;
	[tilespmem:$0x1EE80] =	vst v63  }
0x84: {  	_ =	swait.ge [sflag:s31], $0x280  }
0x85: {  	[sflag:s31] =	ssyncset.done $0x0  }
0x86: {  	s23 =	simm.s32 $0x0;
	s19 =	rddreg [dreg:$0xc];
	[sflag:s31] =	ssyncadd.s32 $0xFFFFFD80  }
0x87: {  	[tilespmem:s23], [sflag:$0x3] =	stream.linear.gather [hbm4b:s19+s23], $0x2800, $0x38;
	[tilespmem:$0x1EE80] =	vst v63  }
0x88: {  	_ =	swait.ge [sflag:s31], $0x2800  }
0x89: {  	[sflag:s31] =	ssyncset.done $0x0  }
0x8a: {  	[sflag:s31] =	ssyncadd.s32 $0xFFFFD800  }
0x8b: {  	[bflag:$0x0] =	sbarrier.arrive $0xFFFF  }
0x8c: {  	v19 =	vld [tilespmem:$0x0];
	_ =	sdelay $0x4  }
0x8d: {  	v20 =	vshll.u32 v19, $0x1  }
0x8e: {  	v19 =	vand.u32 $0x7, v19;
	v20 =	vand.u32 $0xFFFFFFF0, v20  }
0x8f: {  	v19 =	vor.u32 v19, v20  }
0x90: {  	v20 =	vperm.xlane v19, v4;
	_ =	sdelay $0x1  }
0x91: {  	v21 =	vperm.xlane v19, v3;
	v20 =	vadd.s32 v5, v20;
	_ =	sdelay $0x1  }
0x92: {  	v22 =	vperm.xlane v19, v6;
	v21 =	vadd.s32 v5, v21;
	_ =	sdelay $0x1  }
0x93: {  	v23 =	vperm.xlane v19, v7;
	v22 =	vadd.s32 v5, v22  }
0x94: {  	[tilespmem:s18], [sflag:$0x1] =	stream.indirect_vreg.gather [hbm4b:s12+s23], $0x80, v20, vm0, $0xb8;
	[tilespmem:$0x1EE80] =	vst v63  }
0x95: {  	s20 =	simm.s32 $0x2980;
	v51 =	vperm.xlane v19, v8;
	v20 =	vadd.s32 v5, v23  }
0x96: {  	[tilespmem:s20], [sflag:$0x1] =	stream.indirect_vreg.gather [hbm4b:s12+s23], $0x80, v21, vm0, $0xb8;
	[tilespmem:$0x1EE80] =	vst v63  }
0x97: {  	s24 =	simm.s32 $0x2A00;
	v53 =	vperm.xlane v19, v9;
	v52 =	vadd.s32 v5, v51  }
0x98: {  	[tilespmem:s24], [sflag:$0x1] =	stream.indirect_vreg.gather [hbm4b:s12+s23], $0x80, v22, vm0, $0xb8;
	[tilespmem:$0x1EE80] =	vst v63  }
0x99: {  	s31 =	simm.s32 $0x2A80;
	v55 =	vperm.xlane v19, v10;
	v54 =	vadd.s32 v5, v53  }
0x9a: {  	[tilespmem:s31], [sflag:$0x1] =	stream.indirect_vreg.gather [hbm4b:s12+s23], $0x80, v20, vm0, $0xb8;
	[tilespmem:$0x1EE80] =	vst v63  }
0x9b: {  	s1 =	simm.s32 $0x2B00;
	v56 =	vperm.xlane v19, v2;
	v20 =	vadd.s32 v5, v55  }
0x9c: {  	[tilespmem:s1], [sflag:$0x1] =	stream.indirect_vreg.gather [hbm4b:s12+s23], $0x80, v52, vm0, $0xb8;
	[tilespmem:$0x1EE80] =	vst v63  }
0x9d: {  	s19 =	simm.s32 $0x2B80;
	v58 =	vperm.xlane v19, v11;
	v57 =	vadd.s32 v5, v56  }
0x9e: {  	[tilespmem:s19], [sflag:$0x1] =	stream.indirect_vreg.gather [hbm4b:s12+s23], $0x80, v54, vm0, $0xb8;
	[tilespmem:$0x1EE80] =	vst v63  }
0x9f: {  	v60 =	vperm.xlane v19, v12;
	v59 =	vadd.s32 v5, v58;
	s20 =	simm.s32 $0x2C00  }
0xa0: {  	[tilespmem:s20], [sflag:$0x1] =	stream.indirect_vreg.gather [hbm4b:s12+s23], $0x80, v20, vm0, $0xb8;
	[tilespmem:$0x1EE80] =	vst v63  }
0xa1: {  	v61 =	vperm.xlane v19, v13;
	s24 =	simm.s32 $0x2C80;
	v20 =	vadd.s32 v5, v60  }
0xa2: {  	[tilespmem:s24], [sflag:$0x1] =	stream.indirect_vreg.gather [hbm4b:s12+s23], $0x80, v57, vm0, $0xb8;
	[tilespmem:$0x1EE80] =	vst v63  }
0xa3: {  	v63 =	vperm.xlane v19, v14;
	v62 =	vadd.s32 v5, v61;
	s31 =	simm.s32 $0x2D00  }
0xa4: {  	[tilespmem:s31], [sflag:$0x1] =	stream.indirect_vreg.gather [hbm4b:s12+s23], $0x80, v59, vm0, $0xb8;
	[tilespmem:$0x1EE80] =	vst v63  }
0xa5: {  	v25 =	vperm.xlane v19, v15;
	v24 =	vadd.s32 v5, v63;
	s1 =	simm.s32 $0x2D80  }
0xa6: {  	[tilespmem:s1], [sflag:$0x1] =	stream.indirect_vreg.gather [hbm4b:s12+s23], $0x80, v20, vm0, $0xb8;
	[tilespmem:$0x1EE80] =	vst v63  }
0xa7: {  	v26 =	vperm.xlane v19, v16;
	s19 =	simm.s32 $0x2E00;
	v20 =	vadd.s32 v5, v25  }
0xa8: {  	[tilespmem:s19], [sflag:$0x1] =	stream.indirect_vreg.gather [hbm4b:s12+s23], $0x80, v62, vm0, $0xb8;
	[tilespmem:$0x1EE80] =	vst v63  }
0xa9: {  	v28 =	vperm.xlane v19, v17;
	v27 =	vadd.s32 v5, v26;
	s20 =	simm.s32 $0x2E80  }
0xaa: {  	[tilespmem:s20], [sflag:$0x1] =	stream.indirect_vreg.gather [hbm4b:s12+s23], $0x80, v24, vm0, $0xb8;
	[tilespmem:$0x1EE80] =	vst v63  }
0xab: {  	v19 =	vperm.xlane v19, v18;
	v29 =	vadd.s32 v5, v28;
	s24 =	simm.s32 $0x2F00  }
0xac: {  	[tilespmem:s24], [sflag:$0x1] =	stream.indirect_vreg.gather [hbm4b:s12+s23], $0x80, v20, vm0, $0xb8;
	[tilespmem:$0x1EE80] =	vst v63  }
0xad: {  	v19 =	vadd.s32 v5, v19;
	s31 =	simm.s32 $0x2F80  }
0xae: {  	[tilespmem:s31], [sflag:$0x1] =	stream.indirect_vreg.gather [hbm4b:s12+s23], $0x80, v27, vm0, $0xb8;
	[tilespmem:$0x1EE80] =	vst v63  }
0xaf: {  	s1 =	simm.s32 $0x3000  }
0xb0: {  	[tilespmem:s1], [sflag:$0x1] =	stream.indirect_vreg.gather [hbm4b:s12+s23], $0x80, v29, vm0, $0xb8;
	[tilespmem:$0x1EE80] =	vst v63  }
0xb1: {  	s19 =	simm.s32 $0x3080  }
0xb2: {  	[tilespmem:s19], [sflag:$0x1] =	stream.indirect_vreg.gather [hbm4b:s12+s23], $0x80, v19, vm0, $0xb8;
	[tilespmem:$0x1EE80] =	vst v63  }
0xb3: {  	v19 =	vld [tilespmem:$0x10];
	_ =	sdelay $0x4  }
0xb4: {  	v20 =	vshll.u32 v19, $0x1  }
0xb5: {  	v19 =	vand.u32 $0x7, v19;
	v20 =	vand.u32 $0xFFFFFFF0, v20  }
0xb6: {  	v19 =	vor.u32 v19, v20  }
0xb7: {  	v20 =	vperm.xlane v19, v4;
	_ =	sdelay $0x1  }
0xb8: {  	v30 =	vperm.xlane v19, v3;
	v20 =	vadd.s32 v5, v20;
	_ =	sdelay $0x1  }
0xb9: {  	v31 =	vperm.xlane v19, v6;
	v21 =	vadd.s32 v5, v30;
	_ =	sdelay $0x1  }
0xba: {  	s20 =	simm.s32 $0x3100;
	v32 =	vperm.xlane v19, v7;
	v22 =	vadd.s32 v5, v31  }
0xbb: {  	[tilespmem:s20], [sflag:$0x1] =	stream.indirect_vreg.gather [hbm4b:s12+s23], $0x80, v20, vm0, $0xb8;
	[tilespmem:$0x1EE80] =	vst v63  }
0xbc: {  	s24 =	simm.s32 $0x3180;
	v33 =	vperm.xlane v19, v8;
	v20 =	vadd.s32 v5, v32  }
0xbd: {  	[tilespmem:s24], [sflag:$0x1] =	stream.indirect_vreg.gather [hbm4b:s12+s23], $0x80, v21, vm0, $0xb8;
	[tilespmem:$0x1EE80] =	vst v63  }
0xbe: {  	s31 =	simm.s32 $0x3200;
	v35 =	vperm.xlane v19, v9;
	v34 =	vadd.s32 v5, v33  }
0xbf: {  	[tilespmem:s31], [sflag:$0x1] =	stream.indirect_vreg.gather [hbm4b:s12+s23], $0x80, v22, vm0, $0xb8;
	[tilespmem:$0x1EE80] =	vst v63  }
0xc0: {  	s1 =	simm.s32 $0x3280;
	v37 =	vperm.xlane v19, v10;
	v36 =	vadd.s32 v5, v35  }
0xc1: {  	[tilespmem:s1], [sflag:$0x1] =	stream.indirect_vreg.gather [hbm4b:s12+s23], $0x80, v20, vm0, $0xb8;
	[tilespmem:$0x1EE80] =	vst v63  }
0xc2: {  	s19 =	simm.s32 $0x3300;
	v38 =	vperm.xlane v19, v2;
	v20 =	vadd.s32 v5, v37  }
0xc3: {  	[tilespmem:s19], [sflag:$0x1] =	stream.indirect_vreg.gather [hbm4b:s12+s23], $0x80, v34, vm0, $0xb8;
	[tilespmem:$0x1EE80] =	vst v63  }
0xc4: {  	v40 =	vperm.xlane v19, v11;
	v39 =	vadd.s32 v5, v38;
	s20 =	simm.s32 $0x3380  }
0xc5: {  	[tilespmem:s20], [sflag:$0x1] =	stream.indirect_vreg.gather [hbm4b:s12+s23], $0x80, v36, vm0, $0xb8;
	[tilespmem:$0x1EE80] =	vst v63  }
0xc6: {  	v42 =	vperm.xlane v19, v12;
	v41 =	vadd.s32 v5, v40;
	s24 =	simm.s32 $0x3400  }
0xc7: {  	[tilespmem:s24], [sflag:$0x1] =	stream.indirect_vreg.gather [hbm4b:s12+s23], $0x80, v20, vm0, $0xb8;
	[tilespmem:$0x1EE80] =	vst v63  }
0xc8: {  	v43 =	vperm.xlane v19, v13;
	s31 =	simm.s32 $0x3480;
	v20 =	vadd.s32 v5, v42  }
0xc9: {  	[tilespmem:s31], [sflag:$0x1] =	stream.indirect_vreg.gather [hbm4b:s12+s23], $0x80, v39, vm0, $0xb8;
	[tilespmem:$0x1EE80] =	vst v63  }
0xca: {  	v45 =	vperm.xlane v19, v14;
	v44 =	vadd.s32 v5, v43;
	s1 =	simm.s32 $0x3500  }
0xcb: {  	[tilespmem:s1], [sflag:$0x1] =	stream.indirect_vreg.gather [hbm4b:s12+s23], $0x80, v41, vm0, $0xb8;
	[tilespmem:$0x1EE80] =	vst v63  }
0xcc: {  	v47 =	vperm.xlane v19, v15;
	v46 =	vadd.s32 v5, v45;
	s19 =	simm.s32 $0x3580  }
0xcd: {  	[tilespmem:s19], [sflag:$0x1] =	stream.indirect_vreg.gather [hbm4b:s12+s23], $0x80, v20, vm0, $0xb8;
	[tilespmem:$0x1EE80] =	vst v63  }
0xce: {  	v48 =	vperm.xlane v19, v16;
	s20 =	simm.s32 $0x3600;
	v20 =	vadd.s32 v5, v47  }
0xcf: {  	[tilespmem:s20], [sflag:$0x1] =	stream.indirect_vreg.gather [hbm4b:s12+s23], $0x80, v44, vm0, $0xb8;
	[tilespmem:$0x1EE80] =	vst v63  }
0xd0: {  	v50 =	vperm.xlane v19, v17;
	v49 =	vadd.s32 v5, v48;
	s24 =	simm.s32 $0x3680  }
0xd1: {  	[tilespmem:s24], [sflag:$0x1] =	stream.indirect_vreg.gather [hbm4b:s12+s23], $0x80, v46, vm0, $0xb8;
	[tilespmem:$0x1EE80] =	vst v63  }
0xd2: {  	v19 =	vperm.xlane v19, v18;
	v51 =	vadd.s32 v5, v50;
	s31 =	simm.s32 $0x3700  }
0xd3: {  	[tilespmem:s31], [sflag:$0x1] =	stream.indirect_vreg.gather [hbm4b:s12+s23], $0x80, v20, vm0, $0xb8;
	[tilespmem:$0x1EE80] =	vst v63  }
0xd4: {  	v19 =	vadd.s32 v5, v19;
	s1 =	simm.s32 $0x3780  }
0xd5: {  	[tilespmem:s1], [sflag:$0x1] =	stream.indirect_vreg.gather [hbm4b:s12+s23], $0x80, v49, vm0, $0xb8;
	[tilespmem:$0x1EE80] =	vst v63  }
0xd6: {  	s19 =	simm.s32 $0x3800  }
0xd7: {  	[tilespmem:s19], [sflag:$0x1] =	stream.indirect_vreg.gather [hbm4b:s12+s23], $0x80, v51, vm0, $0xb8;
	[tilespmem:$0x1EE80] =	vst v63  }
0xd8: {  	s20 =	simm.s32 $0x3880  }
0xd9: {  	[tilespmem:s20], [sflag:$0x1] =	stream.indirect_vreg.gather [hbm4b:s12+s23], $0x80, v19, vm0, $0xb8;
	[tilespmem:$0x1EE80] =	vst v63  }
0xda: {  	v19 =	vld [tilespmem:$0x20];
	_ =	sdelay $0x4  }
0xdb: {  	v20 =	vshll.u32 v19, $0x1  }
0xdc: {  	v19 =	vand.u32 $0x7, v19;
	v20 =	vand.u32 $0xFFFFFFF0, v20  }
0xdd: {  	v19 =	vor.u32 v19, v20  }
0xde: {  	v20 =	vperm.xlane v19, v4;
	_ =	sdelay $0x1  }
0xdf: {  	v52 =	vperm.xlane v19, v3;
	v20 =	vadd.s32 v5, v20;
	_ =	sdelay $0x1  }
0xe0: {  	v53 =	vperm.xlane v19, v6;
	v21 =	vadd.s32 v5, v52;
	_ =	sdelay $0x1  }
0xe1: {  	s24 =	simm.s32 $0x3900;
	v54 =	vperm.xlane v19, v7;
	v22 =	vadd.s32 v5, v53  }
0xe2: {  	[tilespmem:s24], [sflag:$0x1] =	stream.indirect_vreg.gather [hbm4b:s12+s23], $0x80, v20, vm0, $0xb8;
	[tilespmem:$0x1EE80] =	vst v63  }
0xe3: {  	s31 =	simm.s32 $0x3980;
	v55 =	vperm.xlane v19, v8;
	v20 =	vadd.s32 v5, v54  }
0xe4: {  	[tilespmem:s31], [sflag:$0x1] =	stream.indirect_vreg.gather [hbm4b:s12+s23], $0x80, v21, vm0, $0xb8;
	[tilespmem:$0x1EE80] =	vst v63  }
0xe5: {  	s1 =	simm.s32 $0x3A00;
	v57 =	vperm.xlane v19, v9;
	v56 =	vadd.s32 v5, v55  }
0xe6: {  	[tilespmem:s1], [sflag:$0x1] =	stream.indirect_vreg.gather [hbm4b:s12+s23], $0x80, v22, vm0, $0xb8;
	[tilespmem:$0x1EE80] =	vst v63  }
0xe7: {  	s19 =	simm.s32 $0x3A80;
	v59 =	vperm.xlane v19, v10;
	v58 =	vadd.s32 v5, v57  }
0xe8: {  	[tilespmem:s19], [sflag:$0x1] =	stream.indirect_vreg.gather [hbm4b:s12+s23], $0x80, v20, vm0, $0xb8;
	[tilespmem:$0x1EE80] =	vst v63  }
0xe9: {  	s20 =	simm.s32 $0x3B00;
	v60 =	vperm.xlane v19, v2;
	v20 =	vadd.s32 v5, v59  }
0xea: {  	[tilespmem:s20], [sflag:$0x1] =	stream.indirect_vreg.gather [hbm4b:s12+s23], $0x80, v56, vm0, $0xb8;
	[tilespmem:$0x1EE80] =	vst v63  }
0xeb: {  	v62 =	vperm.xlane v19, v11;
	v61 =	vadd.s32 v5, v60;
	s24 =	simm.s32 $0x3B80  }
0xec: {  	[tilespmem:s24], [sflag:$0x1] =	stream.indirect_vreg.gather [hbm4b:s12+s23], $0x80, v58, vm0, $0xb8;
	[tilespmem:$0x1EE80] =	vst v63  }
0xed: {  	v24 =	vperm.xlane v19, v12;
	v63 =	vadd.s32 v5, v62;
	s31 =	simm.s32 $0x3C00  }
0xee: {  	[tilespmem:s31], [sflag:$0x1] =	stream.indirect_vreg.gather [hbm4b:s12+s23], $0x80, v20, vm0, $0xb8;
	[tilespmem:$0x1EE80] =	vst v63  }
0xef: {  	v25 =	vperm.xlane v19, v13;
	s1 =	simm.s32 $0x3C80;
	v20 =	vadd.s32 v5, v24  }
0xf0: {  	[tilespmem:s1], [sflag:$0x1] =	stream.indirect_vreg.gather [hbm4b:s12+s23], $0x80, v61, vm0, $0xb8;
	[tilespmem:$0x1EE80] =	vst v63  }
0xf1: {  	v27 =	vperm.xlane v19, v14;
	v26 =	vadd.s32 v5, v25;
	s19 =	simm.s32 $0x3D00  }
0xf2: {  	[tilespmem:s19], [sflag:$0x1] =	stream.indirect_vreg.gather [hbm4b:s12+s23], $0x80, v63, vm0, $0xb8;
	[tilespmem:$0x1EE80] =	vst v63  }
0xf3: {  	v29 =	vperm.xlane v19, v15;
	v28 =	vadd.s32 v5, v27;
	s20 =	simm.s32 $0x3D80  }
0xf4: {  	[tilespmem:s20], [sflag:$0x1] =	stream.indirect_vreg.gather [hbm4b:s12+s23], $0x80, v20, vm0, $0xb8;
	[tilespmem:$0x1EE80] =	vst v63  }
0xf5: {  	v30 =	vperm.xlane v19, v16;
	s24 =	simm.s32 $0x3E00;
	v20 =	vadd.s32 v5, v29  }
0xf6: {  	[tilespmem:s24], [sflag:$0x1] =	stream.indirect_vreg.gather [hbm4b:s12+s23], $0x80, v26, vm0, $0xb8;
	[tilespmem:$0x1EE80] =	vst v63  }
0xf7: {  	v32 =	vperm.xlane v19, v17;
	v31 =	vadd.s32 v5, v30;
	s31 =	simm.s32 $0x3E80  }
0xf8: {  	[tilespmem:s31], [sflag:$0x1] =	stream.indirect_vreg.gather [hbm4b:s12+s23], $0x80, v28, vm0, $0xb8;
	[tilespmem:$0x1EE80] =	vst v63  }
0xf9: {  	v19 =	vperm.xlane v19, v18;
	v33 =	vadd.s32 v5, v32;
	s1 =	simm.s32 $0x3F00  }
0xfa: {  	[tilespmem:s1], [sflag:$0x1] =	stream.indirect_vreg.gather [hbm4b:s12+s23], $0x80, v20, vm0, $0xb8;
	[tilespmem:$0x1EE80] =	vst v63  }
0xfb: {  	v19 =	vadd.s32 v5, v19;
	s19 =	simm.s32 $0x3F80  }
0xfc: {  	[tilespmem:s19], [sflag:$0x1] =	stream.indirect_vreg.gather [hbm4b:s12+s23], $0x80, v31, vm0, $0xb8;
	[tilespmem:$0x1EE80] =	vst v63  }
0xfd: {  	s20 =	simm.s32 $0x4000  }
0xfe: {  	[tilespmem:s20], [sflag:$0x1] =	stream.indirect_vreg.gather [hbm4b:s12+s23], $0x80, v33, vm0, $0xb8;
	[tilespmem:$0x1EE80] =	vst v63  }
0xff: {  	s24 =	simm.s32 $0x4080  }
0x100: {  	[tilespmem:s24], [sflag:$0x1] =	stream.indirect_vreg.gather [hbm4b:s12+s23], $0x80, v19, vm0, $0xb8;
	[tilespmem:$0x1EE80] =	vst v63  }
0x101: {  	v19 =	vld [tilespmem:$0x30];
	_ =	sdelay $0x4  }
0x102: {  	v20 =	vshll.u32 v19, $0x1  }
0x103: {  	v19 =	vand.u32 $0x7, v19;
	v20 =	vand.u32 $0xFFFFFFF0, v20  }
0x104: {  	v19 =	vor.u32 v19, v20  }
0x105: {  	v20 =	vperm.xlane v19, v4;
	_ =	sdelay $0x1  }
0x106: {  	v34 =	vperm.xlane v19, v3;
	v20 =	vadd.s32 v5, v20;
	_ =	sdelay $0x1  }
0x107: {  	v35 =	vperm.xlane v19, v6;
	v21 =	vadd.s32 v5, v34;
	_ =	sdelay $0x1  }
0x108: {  	s31 =	simm.s32 $0x4100;
	v36 =	vperm.xlane v19, v7;
	v22 =	vadd.s32 v5, v35  }
0x109: {  	[tilespmem:s31], [sflag:$0x1] =	stream.indirect_vreg.gather [hbm4b:s12+s23], $0x80, v20, vm0, $0xb8;
	[tilespmem:$0x1EE80] =	vst v63  }
0x10a: {  	s1 =	simm.s32 $0x4180;
	v37 =	vperm.xlane v19, v8;
	v20 =	vadd.s32 v5, v36  }
0x10b: {  	[tilespmem:s1], [sflag:$0x1] =	stream.indirect_vreg.gather [hbm4b:s12+s23], $0x80, v21, vm0, $0xb8;
	[tilespmem:$0x1EE80] =	vst v63  }
0x10c: {  	s19 =	simm.s32 $0x4200;
	v39 =	vperm.xlane v19, v9;
	v38 =	vadd.s32 v5, v37  }
0x10d: {  	[tilespmem:s19], [sflag:$0x1] =	stream.indirect_vreg.gather [hbm4b:s12+s23], $0x80, v22, vm0, $0xb8;
	[tilespmem:$0x1EE80] =	vst v63  }
0x10e: {  	s20 =	simm.s32 $0x4280;
	v41 =	vperm.xlane v19, v10;
	v40 =	vadd.s32 v5, v39  }
0x10f: {  	[tilespmem:s20], [sflag:$0x1] =	stream.indirect_vreg.gather [hbm4b:s12+s23], $0x80, v20, vm0, $0xb8;
	[tilespmem:$0x1EE80] =	vst v63  }
0x110: {  	s24 =	simm.s32 $0x4300;
	v42 =	vperm.xlane v19, v2;
	v20 =	vadd.s32 v5, v41  }
0x111: {  	[tilespmem:s24], [sflag:$0x1] =	stream.indirect_vreg.gather [hbm4b:s12+s23], $0x80, v38, vm0, $0xb8;
	[tilespmem:$0x1EE80] =	vst v63  }
0x112: {  	v44 =	vperm.xlane v19, v11;
	v43 =	vadd.s32 v5, v42;
	s31 =	simm.s32 $0x4380  }
0x113: {  	[tilespmem:s31], [sflag:$0x1] =	stream.indirect_vreg.gather [hbm4b:s12+s23], $0x80, v40, vm0, $0xb8;
	[tilespmem:$0x1EE80] =	vst v63  }
0x114: {  	v46 =	vperm.xlane v19, v12;
	v45 =	vadd.s32 v5, v44;
	s1 =	simm.s32 $0x4400  }
0x115: {  	[tilespmem:s1], [sflag:$0x1] =	stream.indirect_vreg.gather [hbm4b:s12+s23], $0x80, v20, vm0, $0xb8;
	[tilespmem:$0x1EE80] =	vst v63  }
0x116: {  	v47 =	vperm.xlane v19, v13;
	s19 =	simm.s32 $0x4480;
	v20 =	vadd.s32 v5, v46  }
0x117: {  	[tilespmem:s19], [sflag:$0x1] =	stream.indirect_vreg.gather [hbm4b:s12+s23], $0x80, v43, vm0, $0xb8;
	[tilespmem:$0x1EE80] =	vst v63  }
0x118: {  	v49 =	vperm.xlane v19, v14;
	v48 =	vadd.s32 v5, v47;
	s20 =	simm.s32 $0x4500  }
0x119: {  	[tilespmem:s20], [sflag:$0x1] =	stream.indirect_vreg.gather [hbm4b:s12+s23], $0x80, v45, vm0, $0xb8;
	[tilespmem:$0x1EE80] =	vst v63  }
0x11a: {  	v51 =	vperm.xlane v19, v15;
	v50 =	vadd.s32 v5, v49;
	s24 =	simm.s32 $0x4580  }
0x11b: {  	[tilespmem:s24], [sflag:$0x1] =	stream.indirect_vreg.gather [hbm4b:s12+s23], $0x80, v20, vm0, $0xb8;
	[tilespmem:$0x1EE80] =	vst v63  }
0x11c: {  	v52 =	vperm.xlane v19, v16;
	s31 =	simm.s32 $0x4600;
	v20 =	vadd.s32 v5, v51  }
0x11d: {  	[tilespmem:s31], [sflag:$0x1] =	stream.indirect_vreg.gather [hbm4b:s12+s23], $0x80, v48, vm0, $0xb8;
	[tilespmem:$0x1EE80] =	vst v63  }
0x11e: {  	v54 =	vperm.xlane v19, v17;
	v53 =	vadd.s32 v5, v52;
	s1 =	simm.s32 $0x4680  }
0x11f: {  	[tilespmem:s1], [sflag:$0x1] =	stream.indirect_vreg.gather [hbm4b:s12+s23], $0x80, v50, vm0, $0xb8;
	[tilespmem:$0x1EE80] =	vst v63  }
0x120: {  	v19 =	vperm.xlane v19, v18;
	v55 =	vadd.s32 v5, v54;
	s19 =	simm.s32 $0x4700  }
0x121: {  	[tilespmem:s19], [sflag:$0x1] =	stream.indirect_vreg.gather [hbm4b:s12+s23], $0x80, v20, vm0, $0xb8;
	[tilespmem:$0x1EE80] =	vst v63  }
0x122: {  	v19 =	vadd.s32 v5, v19;
	s20 =	simm.s32 $0x4780  }
0x123: {  	[tilespmem:s20], [sflag:$0x1] =	stream.indirect_vreg.gather [hbm4b:s12+s23], $0x80, v53, vm0, $0xb8;
	[tilespmem:$0x1EE80] =	vst v63  }
0x124: {  	s24 =	simm.s32 $0x4800  }
0x125: {  	[tilespmem:s24], [sflag:$0x1] =	stream.indirect_vreg.gather [hbm4b:s12+s23], $0x80, v55, vm0, $0xb8;
	[tilespmem:$0x1EE80] =	vst v63  }
0x126: {  	s31 =	simm.s32 $0x4880  }
0x127: {  	[tilespmem:s31], [sflag:$0x1] =	stream.indirect_vreg.gather [hbm4b:s12+s23], $0x80, v19, vm0, $0xb8;
	[tilespmem:$0x1EE80] =	vst v63  }
0x128: {  	v19 =	vld [tilespmem:$0x40];
	_ =	sdelay $0x4  }
0x129: {  	v20 =	vshll.u32 v19, $0x1  }
0x12a: {  	v19 =	vand.u32 $0x7, v19;
	v20 =	vand.u32 $0xFFFFFFF0, v20  }
0x12b: {  	v19 =	vor.u32 v19, v20  }
0x12c: {  	v20 =	vperm.xlane v19, v4;
	_ =	sdelay $0x1  }
0x12d: {  	v56 =	vperm.xlane v19, v3;
	v20 =	vadd.s32 v5, v20;
	_ =	sdelay $0x1  }
0x12e: {  	v57 =	vperm.xlane v19, v6;
	v21 =	vadd.s32 v5, v56;
	_ =	sdelay $0x1  }
0x12f: {  	s1 =	simm.s32 $0x4900;
	v58 =	vperm.xlane v19, v7;
	v22 =	vadd.s32 v5, v57  }
0x130: {  	[tilespmem:s1], [sflag:$0x1] =	stream.indirect_vreg.gather [hbm4b:s12+s23], $0x80, v20, vm0, $0xb8;
	[tilespmem:$0x1EE80] =	vst v63  }
0x131: {  	s19 =	simm.s32 $0x4980;
	v59 =	vperm.xlane v19, v8;
	v20 =	vadd.s32 v5, v58  }
0x132: {  	[tilespmem:s19], [sflag:$0x1] =	stream.indirect_vreg.gather [hbm4b:s12+s23], $0x80, v21, vm0, $0xb8;
	[tilespmem:$0x1EE80] =	vst v63  }
0x133: {  	s20 =	simm.s32 $0x4A00;
	v61 =	vperm.xlane v19, v9;
	v60 =	vadd.s32 v5, v59  }
0x134: {  	[tilespmem:s20], [sflag:$0x1] =	stream.indirect_vreg.gather [hbm4b:s12+s23], $0x80, v22, vm0, $0xb8;
	[tilespmem:$0x1EE80] =	vst v63  }
0x135: {  	s24 =	simm.s32 $0x4A80;
	v63 =	vperm.xlane v19, v10;
	v62 =	vadd.s32 v5, v61  }
0x136: {  	[tilespmem:s24], [sflag:$0x1] =	stream.indirect_vreg.gather [hbm4b:s12+s23], $0x80, v20, vm0, $0xb8;
	[tilespmem:$0x1EE80] =	vst v63  }
0x137: {  	s31 =	simm.s32 $0x4B00;
	v24 =	vperm.xlane v19, v2;
	v20 =	vadd.s32 v5, v63  }
0x138: {  	[tilespmem:s31], [sflag:$0x1] =	stream.indirect_vreg.gather [hbm4b:s12+s23], $0x80, v60, vm0, $0xb8;
	[tilespmem:$0x1EE80] =	vst v63  }
0x139: {  	v26 =	vperm.xlane v19, v11;
	v25 =	vadd.s32 v5, v24;
	s1 =	simm.s32 $0x4B80  }
0x13a: {  	[tilespmem:s1], [sflag:$0x1] =	stream.indirect_vreg.gather [hbm4b:s12+s23], $0x80, v62, vm0, $0xb8;
	[tilespmem:$0x1EE80] =	vst v63  }
0x13b: {  	v28 =	vperm.xlane v19, v12;
	v27 =	vadd.s32 v5, v26;
	s19 =	simm.s32 $0x4C00  }
0x13c: {  	[tilespmem:s19], [sflag:$0x1] =	stream.indirect_vreg.gather [hbm4b:s12+s23], $0x80, v20, vm0, $0xb8;
	[tilespmem:$0x1EE80] =	vst v63  }
0x13d: {  	v29 =	vperm.xlane v19, v13;
	s20 =	simm.s32 $0x4C80;
	v20 =	vadd.s32 v5, v28  }
0x13e: {  	[tilespmem:s20], [sflag:$0x1] =	stream.indirect_vreg.gather [hbm4b:s12+s23], $0x80, v25, vm0, $0xb8;
	[tilespmem:$0x1EE80] =	vst v63  }
0x13f: {  	v31 =	vperm.xlane v19, v14;
	v30 =	vadd.s32 v5, v29;
	s24 =	simm.s32 $0x4D00  }
0x140: {  	[tilespmem:s24], [sflag:$0x1] =	stream.indirect_vreg.gather [hbm4b:s12+s23], $0x80, v27, vm0, $0xb8;
	[tilespmem:$0x1EE80] =	vst v63  }
0x141: {  	v33 =	vperm.xlane v19, v15;
	v32 =	vadd.s32 v5, v31;
	s31 =	simm.s32 $0x4D80  }
0x142: {  	[tilespmem:s31], [sflag:$0x1] =	stream.indirect_vreg.gather [hbm4b:s12+s23], $0x80, v20, vm0, $0xb8;
	[tilespmem:$0x1EE80] =	vst v63  }
0x143: {  	v34 =	vperm.xlane v19, v16;
	s1 =	simm.s32 $0x4E00;
	v20 =	vadd.s32 v5, v33  }
0x144: {  	[tilespmem:s1], [sflag:$0x1] =	stream.indirect_vreg.gather [hbm4b:s12+s23], $0x80, v30, vm0, $0xb8;
	[tilespmem:$0x1EE80] =	vst v63  }
0x145: {  	v36 =	vperm.xlane v19, v17;
	v35 =	vadd.s32 v5, v34;
	s19 =	simm.s32 $0x4E80  }
0x146: {  	[tilespmem:s19], [sflag:$0x1] =	stream.indirect_vreg.gather [hbm4b:s12+s23], $0x80, v32, vm0, $0xb8;
	[tilespmem:$0x1EE80] =	vst v63  }
0x147: {  	v19 =	vperm.xlane v19, v18;
	v37 =	vadd.s32 v5, v36;
	s20 =	simm.s32 $0x4F00  }
0x148: {  	[tilespmem:s20], [sflag:$0x1] =	stream.indirect_vreg.gather [hbm4b:s12+s23], $0x80, v20, vm0, $0xb8;
	[tilespmem:$0x1EE80] =	vst v63  }
0x149: {  	v19 =	vadd.s32 v5, v19;
	s24 =	simm.s32 $0x4F80  }
0x14a: {  	[tilespmem:s24], [sflag:$0x1] =	stream.indirect_vreg.gather [hbm4b:s12+s23], $0x80, v35, vm0, $0xb8;
	[tilespmem:$0x1EE80] =	vst v63  }
0x14b: {  	s31 =	simm.s32 $0x5000  }
0x14c: {  	[tilespmem:s31], [sflag:$0x1] =	stream.indirect_vreg.gather [hbm4b:s12+s23], $0x80, v37, vm0, $0xb8;
	[tilespmem:$0x1EE80] =	vst v63  }
0x14d: {  	s1 =	simm.s32 $0x5080  }
0x14e: {  	[tilespmem:s1], [sflag:$0x1] =	stream.indirect_vreg.gather [hbm4b:s12+s23], $0x80, v19, vm0, $0xb8;
	[tilespmem:$0x1EE80] =	vst v63  }
0x14f: {  	v19 =	vld [tilespmem:$0x50];
	_ =	sdelay $0x4  }
0x150: {  	v20 =	vshll.u32 v19, $0x1  }
0x151: {  	v19 =	vand.u32 $0x7, v19;
	v20 =	vand.u32 $0xFFFFFFF0, v20  }
0x152: {  	v19 =	vor.u32 v19, v20  }
0x153: {  	v20 =	vperm.xlane v19, v4;
	_ =	sdelay $0x1  }
0x154: {  	v38 =	vperm.xlane v19, v3;
	v20 =	vadd.s32 v5, v20;
	_ =	sdelay $0x1  }
0x155: {  	v39 =	vperm.xlane v19, v6;
	v21 =	vadd.s32 v5, v38;
	_ =	sdelay $0x1  }
0x156: {  	s19 =	simm.s32 $0x5100;
	v40 =	vperm.xlane v19, v7;
	v22 =	vadd.s32 v5, v39  }
0x157: {  	[tilespmem:s19], [sflag:$0x1] =	stream.indirect_vreg.gather [hbm4b:s12+s23], $0x80, v20, vm0, $0xb8;
	[tilespmem:$0x1EE80] =	vst v63  }
0x158: {  	s20 =	simm.s32 $0x5180;
	v41 =	vperm.xlane v19, v8;
	v20 =	vadd.s32 v5, v40  }
0x159: {  	[tilespmem:s20], [sflag:$0x1] =	stream.indirect_vreg.gather [hbm4b:s12+s23], $0x80, v21, vm0, $0xb8;
	[tilespmem:$0x1EE80] =	vst v63  }
0x15a: {  	s24 =	simm.s32 $0x5200;
	v43 =	vperm.xlane v19, v9;
	v42 =	vadd.s32 v5, v41  }
0x15b: {  	[tilespmem:s24], [sflag:$0x1] =	stream.indirect_vreg.gather [hbm4b:s12+s23], $0x80, v22, vm0, $0xb8;
	[tilespmem:$0x1EE80] =	vst v63  }
0x15c: {  	s31 =	simm.s32 $0x5280;
	v45 =	vperm.xlane v19, v10;
	v44 =	vadd.s32 v5, v43  }
0x15d: {  	[tilespmem:s31], [sflag:$0x1] =	stream.indirect_vreg.gather [hbm4b:s12+s23], $0x80, v20, vm0, $0xb8;
	[tilespmem:$0x1EE80] =	vst v63  }
0x15e: {  	s1 =	simm.s32 $0x5300;
	v46 =	vperm.xlane v19, v2;
	v20 =	vadd.s32 v5, v45  }
0x15f: {  	[tilespmem:s1], [sflag:$0x1] =	stream.indirect_vreg.gather [hbm4b:s12+s23], $0x80, v42, vm0, $0xb8;
	[tilespmem:$0x1EE80] =	vst v63  }
0x160: {  	v48 =	vperm.xlane v19, v11;
	v47 =	vadd.s32 v5, v46;
	s19 =	simm.s32 $0x5380  }
0x161: {  	[tilespmem:s19], [sflag:$0x1] =	stream.indirect_vreg.gather [hbm4b:s12+s23], $0x80, v44, vm0, $0xb8;
	[tilespmem:$0x1EE80] =	vst v63  }
0x162: {  	v50 =	vperm.xlane v19, v12;
	v49 =	vadd.s32 v5, v48;
	s20 =	simm.s32 $0x5400  }
0x163: {  	[tilespmem:s20], [sflag:$0x1] =	stream.indirect_vreg.gather [hbm4b:s12+s23], $0x80, v20, vm0, $0xb8;
	[tilespmem:$0x1EE80] =	vst v63  }
0x164: {  	v51 =	vperm.xlane v19, v13;
	s24 =	simm.s32 $0x5480;
	v20 =	vadd.s32 v5, v50  }
0x165: {  	[tilespmem:s24], [sflag:$0x1] =	stream.indirect_vreg.gather [hbm4b:s12+s23], $0x80, v47, vm0, $0xb8;
	[tilespmem:$0x1EE80] =	vst v63  }
0x166: {  	v53 =	vperm.xlane v19, v14;
	v52 =	vadd.s32 v5, v51;
	s31 =	simm.s32 $0x5500  }
0x167: {  	[tilespmem:s31], [sflag:$0x1] =	stream.indirect_vreg.gather [hbm4b:s12+s23], $0x80, v49, vm0, $0xb8;
	[tilespmem:$0x1EE80] =	vst v63  }
0x168: {  	v55 =	vperm.xlane v19, v15;
	v54 =	vadd.s32 v5, v53;
	s1 =	simm.s32 $0x5580  }
0x169: {  	[tilespmem:s1], [sflag:$0x1] =	stream.indirect_vreg.gather [hbm4b:s12+s23], $0x80, v20, vm0, $0xb8;
	[tilespmem:$0x1EE80] =	vst v63  }
0x16a: {  	v56 =	vperm.xlane v19, v16;
	s19 =	simm.s32 $0x5600;
	v20 =	vadd.s32 v5, v55  }
0x16b: {  	[tilespmem:s19], [sflag:$0x1] =	stream.indirect_vreg.gather [hbm4b:s12+s23], $0x80, v52, vm0, $0xb8;
	[tilespmem:$0x1EE80] =	vst v63  }
0x16c: {  	v58 =	vperm.xlane v19, v17;
	v57 =	vadd.s32 v5, v56;
	s20 =	simm.s32 $0x5680  }
0x16d: {  	[tilespmem:s20], [sflag:$0x1] =	stream.indirect_vreg.gather [hbm4b:s12+s23], $0x80, v54, vm0, $0xb8;
	[tilespmem:$0x1EE80] =	vst v63  }
0x16e: {  	v19 =	vperm.xlane v19, v18;
	v59 =	vadd.s32 v5, v58;
	s24 =	simm.s32 $0x5700  }
0x16f: {  	[tilespmem:s24], [sflag:$0x1] =	stream.indirect_vreg.gather [hbm4b:s12+s23], $0x80, v20, vm0, $0xb8;
	[tilespmem:$0x1EE80] =	vst v63  }
0x170: {  	v19 =	vadd.s32 v5, v19;
	s31 =	simm.s32 $0x5780  }
0x171: {  	[tilespmem:s31], [sflag:$0x1] =	stream.indirect_vreg.gather [hbm4b:s12+s23], $0x80, v57, vm0, $0xb8;
	[tilespmem:$0x1EE80] =	vst v63  }
0x172: {  	s1 =	simm.s32 $0x5800  }
0x173: {  	[tilespmem:s1], [sflag:$0x1] =	stream.indirect_vreg.gather [hbm4b:s12+s23], $0x80, v59, vm0, $0xb8;
	[tilespmem:$0x1EE80] =	vst v63  }
0x174: {  	s19 =	simm.s32 $0x5880  }
0x175: {  	[tilespmem:s19], [sflag:$0x1] =	stream.indirect_vreg.gather [hbm4b:s12+s23], $0x80, v19, vm0, $0xb8;
	[tilespmem:$0x1EE80] =	vst v63  }
0x176: {  	v19 =	vld [tilespmem:$0x60];
	_ =	sdelay $0x4  }
0x177: {  	v20 =	vshll.u32 v19, $0x1  }
0x178: {  	v19 =	vand.u32 $0x7, v19;
	v20 =	vand.u32 $0xFFFFFFF0, v20  }
0x179: {  	v19 =	vor.u32 v19, v20  }
0x17a: {  	v20 =	vperm.xlane v19, v4;
	_ =	sdelay $0x1  }
0x17b: {  	v60 =	vperm.xlane v19, v3;
	v20 =	vadd.s32 v5, v20;
	_ =	sdelay $0x1  }
0x17c: {  	v61 =	vperm.xlane v19, v6;
	v21 =	vadd.s32 v5, v60;
	_ =	sdelay $0x1  }
0x17d: {  	s20 =	simm.s32 $0x5900;
	v62 =	vperm.xlane v19, v7;
	v22 =	vadd.s32 v5, v61  }
0x17e: {  	[tilespmem:s20], [sflag:$0x1] =	stream.indirect_vreg.gather [hbm4b:s12+s23], $0x80, v20, vm0, $0xb8;
	[tilespmem:$0x1EE80] =	vst v63  }
0x17f: {  	s24 =	simm.s32 $0x5980;
	v63 =	vperm.xlane v19, v8;
	v20 =	vadd.s32 v5, v62  }
0x180: {  	[tilespmem:s24], [sflag:$0x1] =	stream.indirect_vreg.gather [hbm4b:s12+s23], $0x80, v21, vm0, $0xb8;
	[tilespmem:$0x1EE80] =	vst v63  }
0x181: {  	s31 =	simm.s32 $0x5A00;
	v25 =	vperm.xlane v19, v9;
	v24 =	vadd.s32 v5, v63  }
0x182: {  	[tilespmem:s31], [sflag:$0x1] =	stream.indirect_vreg.gather [hbm4b:s12+s23], $0x80, v22, vm0, $0xb8;
	[tilespmem:$0x1EE80] =	vst v63  }
0x183: {  	s1 =	simm.s32 $0x5A80;
	v27 =	vperm.xlane v19, v10;
	v26 =	vadd.s32 v5, v25  }
0x184: {  	[tilespmem:s1], [sflag:$0x1] =	stream.indirect_vreg.gather [hbm4b:s12+s23], $0x80, v20, vm0, $0xb8;
	[tilespmem:$0x1EE80] =	vst v63  }
0x185: {  	s19 =	simm.s32 $0x5B00;
	v28 =	vperm.xlane v19, v2;
	v20 =	vadd.s32 v5, v27  }
0x186: {  	[tilespmem:s19], [sflag:$0x1] =	stream.indirect_vreg.gather [hbm4b:s12+s23], $0x80, v24, vm0, $0xb8;
	[tilespmem:$0x1EE80] =	vst v63  }
0x187: {  	v30 =	vperm.xlane v19, v11;
	v29 =	vadd.s32 v5, v28;
	s20 =	simm.s32 $0x5B80  }
0x188: {  	[tilespmem:s20], [sflag:$0x1] =	stream.indirect_vreg.gather [hbm4b:s12+s23], $0x80, v26, vm0, $0xb8;
	[tilespmem:$0x1EE80] =	vst v63  }
0x189: {  	v32 =	vperm.xlane v19, v12;
	v31 =	vadd.s32 v5, v30;
	s24 =	simm.s32 $0x5C00  }
0x18a: {  	[tilespmem:s24], [sflag:$0x1] =	stream.indirect_vreg.gather [hbm4b:s12+s23], $0x80, v20, vm0, $0xb8;
	[tilespmem:$0x1EE80] =	vst v63  }
0x18b: {  	v33 =	vperm.xlane v19, v13;
	s31 =	simm.s32 $0x5C80;
	v20 =	vadd.s32 v5, v32  }
0x18c: {  	[tilespmem:s31], [sflag:$0x1] =	stream.indirect_vreg.gather [hbm4b:s12+s23], $0x80, v29, vm0, $0xb8;
	[tilespmem:$0x1EE80] =	vst v63  }
0x18d: {  	v35 =	vperm.xlane v19, v14;
	v34 =	vadd.s32 v5, v33;
	s1 =	simm.s32 $0x5D00  }
0x18e: {  	[tilespmem:s1], [sflag:$0x1] =	stream.indirect_vreg.gather [hbm4b:s12+s23], $0x80, v31, vm0, $0xb8;
	[tilespmem:$0x1EE80] =	vst v63  }
0x18f: {  	v37 =	vperm.xlane v19, v15;
	v36 =	vadd.s32 v5, v35;
	s19 =	simm.s32 $0x5D80  }
0x190: {  	[tilespmem:s19], [sflag:$0x1] =	stream.indirect_vreg.gather [hbm4b:s12+s23], $0x80, v20, vm0, $0xb8;
	[tilespmem:$0x1EE80] =	vst v63  }
0x191: {  	v38 =	vperm.xlane v19, v16;
	s20 =	simm.s32 $0x5E00;
	v20 =	vadd.s32 v5, v37  }
0x192: {  	[tilespmem:s20], [sflag:$0x1] =	stream.indirect_vreg.gather [hbm4b:s12+s23], $0x80, v34, vm0, $0xb8;
	[tilespmem:$0x1EE80] =	vst v63  }
0x193: {  	v40 =	vperm.xlane v19, v17;
	v39 =	vadd.s32 v5, v38;
	s24 =	simm.s32 $0x5E80  }
0x194: {  	[tilespmem:s24], [sflag:$0x1] =	stream.indirect_vreg.gather [hbm4b:s12+s23], $0x80, v36, vm0, $0xb8;
	[tilespmem:$0x1EE80] =	vst v63  }
0x195: {  	v19 =	vperm.xlane v19, v18;
	v41 =	vadd.s32 v5, v40;
	s31 =	simm.s32 $0x5F00  }
0x196: {  	[tilespmem:s31], [sflag:$0x1] =	stream.indirect_vreg.gather [hbm4b:s12+s23], $0x80, v20, vm0, $0xb8;
	[tilespmem:$0x1EE80] =	vst v63  }
0x197: {  	v19 =	vadd.s32 v5, v19;
	s1 =	simm.s32 $0x5F80  }
0x198: {  	[tilespmem:s1], [sflag:$0x1] =	stream.indirect_vreg.gather [hbm4b:s12+s23], $0x80, v39, vm0, $0xb8;
	[tilespmem:$0x1EE80] =	vst v63  }
0x199: {  	s19 =	simm.s32 $0x6000  }
0x19a: {  	[tilespmem:s19], [sflag:$0x1] =	stream.indirect_vreg.gather [hbm4b:s12+s23], $0x80, v41, vm0, $0xb8;
	[tilespmem:$0x1EE80] =	vst v63  }
0x19b: {  	s20 =	simm.s32 $0x6080  }
0x19c: {  	[tilespmem:s20], [sflag:$0x1] =	stream.indirect_vreg.gather [hbm4b:s12+s23], $0x80, v19, vm0, $0xb8;
	[tilespmem:$0x1EE80] =	vst v63  }
0x19d: {  	v19 =	vld [tilespmem:$0x70];
	_ =	sdelay $0x4  }
0x19e: {  	v20 =	vshll.u32 v19, $0x1  }
0x19f: {  	v19 =	vand.u32 $0x7, v19;
	v20 =	vand.u32 $0xFFFFFFF0, v20  }
0x1a0: {  	v19 =	vor.u32 v19, v20  }
0x1a1: {  	v20 =	vperm.xlane v19, v4;
	_ =	sdelay $0x1  }
0x1a2: {  	v42 =	vperm.xlane v19, v3;
	v20 =	vadd.s32 v5, v20;
	_ =	sdelay $0x1  }
0x1a3: {  	v43 =	vperm.xlane v19, v6;
	v21 =	vadd.s32 v5, v42;
	_ =	sdelay $0x1  }
0x1a4: {  	s24 =	simm.s32 $0x6100;
	v44 =	vperm.xlane v19, v7;
	v22 =	vadd.s32 v5, v43  }
0x1a5: {  	[tilespmem:s24], [sflag:$0x1] =	stream.indirect_vreg.gather [hbm4b:s12+s23], $0x80, v20, vm0, $0xb8;
	[tilespmem:$0x1EE80] =	vst v63  }
0x1a6: {  	s31 =	simm.s32 $0x6180;
	v45 =	vperm.xlane v19, v8;
	v20 =	vadd.s32 v5, v44  }
0x1a7: {  	[tilespmem:s31], [sflag:$0x1] =	stream.indirect_vreg.gather [hbm4b:s12+s23], $0x80, v21, vm0, $0xb8;
	[tilespmem:$0x1EE80] =	vst v63  }
0x1a8: {  	s1 =	simm.s32 $0x6200;
	v47 =	vperm.xlane v19, v9;
	v46 =	vadd.s32 v5, v45  }
0x1a9: {  	[tilespmem:s1], [sflag:$0x1] =	stream.indirect_vreg.gather [hbm4b:s12+s23], $0x80, v22, vm0, $0xb8;
	[tilespmem:$0x1EE80] =	vst v63  }
0x1aa: {  	s19 =	simm.s32 $0x6280;
	v49 =	vperm.xlane v19, v10;
	v48 =	vadd.s32 v5, v47  }
0x1ab: {  	[tilespmem:s19], [sflag:$0x1] =	stream.indirect_vreg.gather [hbm4b:s12+s23], $0x80, v20, vm0, $0xb8;
	[tilespmem:$0x1EE80] =	vst v63  }
0x1ac: {  	s20 =	simm.s32 $0x6300;
	v50 =	vperm.xlane v19, v2;
	v20 =	vadd.s32 v5, v49  }
0x1ad: {  	[tilespmem:s20], [sflag:$0x1] =	stream.indirect_vreg.gather [hbm4b:s12+s23], $0x80, v46, vm0, $0xb8;
	[tilespmem:$0x1EE80] =	vst v63  }
0x1ae: {  	v52 =	vperm.xlane v19, v11;
	v51 =	vadd.s32 v5, v50;
	s24 =	simm.s32 $0x6380  }
0x1af: {  	[tilespmem:s24], [sflag:$0x1] =	stream.indirect_vreg.gather [hbm4b:s12+s23], $0x80, v48, vm0, $0xb8;
	[tilespmem:$0x1EE80] =	vst v63  }
0x1b0: {  	v54 =	vperm.xlane v19, v12;
	v53 =	vadd.s32 v5, v52;
	s31 =	simm.s32 $0x6400  }
0x1b1: {  	[tilespmem:s31], [sflag:$0x1] =	stream.indirect_vreg.gather [hbm4b:s12+s23], $0x80, v20, vm0, $0xb8;
	[tilespmem:$0x1EE80] =	vst v63  }
0x1b2: {  	v55 =	vperm.xlane v19, v13;
	s1 =	simm.s32 $0x6480;
	v20 =	vadd.s32 v5, v54  }
0x1b3: {  	[tilespmem:s1], [sflag:$0x1] =	stream.indirect_vreg.gather [hbm4b:s12+s23], $0x80, v51, vm0, $0xb8;
	[tilespmem:$0x1EE80] =	vst v63  }
0x1b4: {  	v57 =	vperm.xlane v19, v14;
	v56 =	vadd.s32 v5, v55;
	s19 =	simm.s32 $0x6500  }
0x1b5: {  	[tilespmem:s19], [sflag:$0x1] =	stream.indirect_vreg.gather [hbm4b:s12+s23], $0x80, v53, vm0, $0xb8;
	[tilespmem:$0x1EE80] =	vst v63  }
0x1b6: {  	v59 =	vperm.xlane v19, v15;
	v58 =	vadd.s32 v5, v57;
	s20 =	simm.s32 $0x6580  }
0x1b7: {  	[tilespmem:s20], [sflag:$0x1] =	stream.indirect_vreg.gather [hbm4b:s12+s23], $0x80, v20, vm0, $0xb8;
	[tilespmem:$0x1EE80] =	vst v63  }
0x1b8: {  	v60 =	vperm.xlane v19, v16;
	s24 =	simm.s32 $0x6600;
	v20 =	vadd.s32 v5, v59  }
0x1b9: {  	[tilespmem:s24], [sflag:$0x1] =	stream.indirect_vreg.gather [hbm4b:s12+s23], $0x80, v56, vm0, $0xb8;
	[tilespmem:$0x1EE80] =	vst v63  }
0x1ba: {  	v62 =	vperm.xlane v19, v17;
	v61 =	vadd.s32 v5, v60;
	s31 =	simm.s32 $0x6680  }
0x1bb: {  	[tilespmem:s31], [sflag:$0x1] =	stream.indirect_vreg.gather [hbm4b:s12+s23], $0x80, v58, vm0, $0xb8;
	[tilespmem:$0x1EE80] =	vst v63  }
0x1bc: {  	v63 =	vadd.s32 v5, v62;
	s1 =	simm.s32 $0x6700  }
0x1bd: {  	v19 =	vperm.xlane v19, v18;
	[tilespmem:s1], [sflag:$0x1] =	stream.indirect_vreg.gather [hbm4b:s12+s23], $0x80, v20, vm0, $0xb8;
	[tilespmem:$0x1EE80] =	vst v63  }
0x1be: {  	s19 =	simm.s32 $0x6780  }
0x1bf: {  	v19 =	vadd.s32 v5, v19;
	[tilespmem:s19], [sflag:$0x1] =	stream.indirect_vreg.gather [hbm4b:s12+s23], $0x80, v61, vm0, $0xb8;
	[tilespmem:$0x1EE80] =	vst v63  }
0x1c0: {  	s20 =	simm.s32 $0x6800  }
0x1c1: {  	[tilespmem:s20], [sflag:$0x1] =	stream.indirect_vreg.gather [hbm4b:s12+s23], $0x80, v63, vm0, $0xb8;
	[tilespmem:$0x1EE80] =	vst v63  }
.Ltmp3:
0x1c2: {  	_ = 	snop;
	(pc) =	sbr.rel .LBB2_4-.Ltmp3, $4  }
0x1c3: {  	s24 =	simm.s32 $0x6880  }
0x1c4: {  	[tilespmem:s24], [sflag:$0x1] =	stream.indirect_vreg.gather [hbm4b:s12+s23], $0x80, v19, vm0, $0xb8;
	[tilespmem:$0x1EE80] =	vst v63  }
0x1c5: {  	s31 =	rddreg [dreg:$0xd];
	s19 =	simm.s32 $0x0;
	s24 =	simm.s32 $0xC0  }
0x1c6: {  	[tilespmem:s29], [sflag:$0x1] =	stream.linear.gather [hbm4b:s31+s23], $0x80, $0x38;
	[tilespmem:$0x1EE80] =	vst v63  }
.LBB2_6:
0x1c7: {  	_ =	swait.ge [sflag:s22], $0x4000  }
0x1c8: {  	[sflag:s22] =	ssyncset.done $0x0  }
0x1c9: {  	[sflag:s22] =	ssyncadd.s32 $0xFFFFC000  }
0x1ca: {  	_ =	swait.ge [sflag:s22], $0x80  }
0x1cb: {  	[sflag:s22] =	ssyncset.done $0x0  }
0x1cc: {  	p2 =	por !p1, !p1;
	[sflag:s22] =	ssyncadd.s32 $0xFFFFFF80  }
0x1cd: {  	[spmem:s2] =	stream.indirect.scatter.add.f32 [tilespmem:s30], [sflag:$0x4], $0x80, s26, s25, $0xb8;
	[tilespmem:$0x1EE80] =	vst v63  }
0x1ce: {  	s23 =	sadd.s32 $0x20, s23;
	p2 =	por @!p0 p1, p1;
	_ =	swait.ge [sflag:s21], $0x4000  }
0x1cf: {  	p1 =	sne.s32 s23, $0x500;
	s0 =	simm.s32 @p2 $0x80;
	[sflag:s21] =	ssyncset.done $0x0  }
0x1d0: {  	s1 =	simm.s32 @p2 $0x2880;
	s20 =	simm.s32 @p2 $0xA900;
	[sflag:s21] =	ssyncadd.s32 $0xFFFFC000  }
0x1d1: {  	[spmem:s3] =	stream.indirect.scatter.add.f32 @p2 [tilespmem:s20], [sflag:$0x3], $0x1, s1, s0, $0xb8;
	[tilespmem:$0x1EE80] =	vst v63  }
.Ltmp4:
0x1d2: {  	_ = 	snop;
	(pc) =	sbr.rel @!p1 .LBB2_7-.Ltmp4, $4  }
0x1d3: {  	s0 =	simm.s32 @p2 $0x3  }
0x1d4: {  	_ =	swait.ge @p2 [sflag:s0], $0x80  }
0x1d5: {  	[sflag:s0] =	ssyncset.done @p2 $0x0  }
0x1d6: {  	s19 =	sadd.s32 $0x1, s19;
	s24 =	sadd.s32 $0x100, s24;
	[sflag:s0] =	ssyncadd.s32 @p2 $0xFFFFFF80  }
.LBB2_4:
0x1d7: {  	v19 =	vld [tilespmem:s24+$0xFFFFFFC0];
	_ =	sdelay $0x4  }
0x1d8: {  	v20 =	vshll.u32 v19, $0x1  }
0x1d9: {  	v19 =	vand.u32 $0x7, v19;
	v20 =	vand.u32 $0xFFFFFFF0, v20  }
0x1da: {  	v19 =	vor.u32 v19, v20  }
0x1db: {  	v20 =	vperm.xlane v19, v4;
	_ =	sdelay $0x1  }
0x1dc: {  	v21 =	vperm.xlane v19, v3;
	v20 =	vadd.s32 v5, v20;
	_ =	sdelay $0x1  }
0x1dd: {  	v22 =	vperm.xlane v19, v6;
	v21 =	vadd.s32 v5, v21;
	_ =	sdelay $0x1  }
0x1de: {  	v23 =	vperm.xlane v19, v7;
	v22 =	vadd.s32 v5, v22  }
0x1df: {  	[tilespmem:s30], [sflag:$0x2] =	stream.indirect_vreg.gather [hbm4b:s12+s4], $0x80, v20, vm0, $0xb8;
	[tilespmem:$0x1EE80] =	vst v63  }
0x1e0: {  	s0 =	simm.s32 $0x6980;
	v51 =	vperm.xlane v19, v8;
	v20 =	vadd.s32 v5, v23  }
0x1e1: {  	[tilespmem:s0], [sflag:$0x2] =	stream.indirect_vreg.gather [hbm4b:s12+s4], $0x80, v21, vm0, $0xb8;
	[tilespmem:$0x1EE80] =	vst v63  }
0x1e2: {  	s1 =	simm.s32 $0x6A00;
	v53 =	vperm.xlane v19, v9;
	v52 =	vadd.s32 v5, v51  }
0x1e3: {  	[tilespmem:s1], [sflag:$0x2] =	stream.indirect_vreg.gather [hbm4b:s12+s4], $0x80, v22, vm0, $0xb8;
	[tilespmem:$0x1EE80] =	vst v63  }
0x1e4: {  	s20 =	simm.s32 $0x6A80;
	v55 =	vperm.xlane v19, v10;
	v54 =	vadd.s32 v5, v53  }
0x1e5: {  	[tilespmem:s20], [sflag:$0x2] =	stream.indirect_vreg.gather [hbm4b:s12+s4], $0x80, v20, vm0, $0xb8;
	[tilespmem:$0x1EE80] =	vst v63  }
0x1e6: {  	v56 =	vperm.xlane v19, v2;
	s1 =	simm.s32 $0x6B00;
	v20 =	vadd.s32 v5, v55  }
0x1e7: {  	[tilespmem:s1], [sflag:$0x2] =	stream.indirect_vreg.gather [hbm4b:s12+s4], $0x80, v52, vm0, $0xb8;
	[tilespmem:$0x1EE80] =	vst v63  }
0x1e8: {  	v58 =	vperm.xlane v19, v11;
	v57 =	vadd.s32 v5, v56;
	s20 =	simm.s32 $0x6B80  }
0x1e9: {  	[tilespmem:s20], [sflag:$0x2] =	stream.indirect_vreg.gather [hbm4b:s12+s4], $0x80, v54, vm0, $0xb8;
	[tilespmem:$0x1EE80] =	vst v63  }
0x1ea: {  	v60 =	vperm.xlane v19, v12;
	v59 =	vadd.s32 v5, v58;
	s1 =	simm.s32 $0x6C00  }
0x1eb: {  	[tilespmem:s1], [sflag:$0x2] =	stream.indirect_vreg.gather [hbm4b:s12+s4], $0x80, v20, vm0, $0xb8;
	[tilespmem:$0x1EE80] =	vst v63  }
0x1ec: {  	v61 =	vperm.xlane v19, v13;
	s20 =	simm.s32 $0x6C80;
	v20 =	vadd.s32 v5, v60  }
0x1ed: {  	[tilespmem:s20], [sflag:$0x2] =	stream.indirect_vreg.gather [hbm4b:s12+s4], $0x80, v57, vm0, $0xb8;
	[tilespmem:$0x1EE80] =	vst v63  }
0x1ee: {  	v63 =	vperm.xlane v19, v14;
	v62 =	vadd.s32 v5, v61;
	s1 =	simm.s32 $0x6D00  }
0x1ef: {  	[tilespmem:s1], [sflag:$0x2] =	stream.indirect_vreg.gather [hbm4b:s12+s4], $0x80, v59, vm0, $0xb8;
	[tilespmem:$0x1EE80] =	vst v63  }
0x1f0: {  	v25 =	vperm.xlane v19, v15;
	v24 =	vadd.s32 v5, v63;
	s20 =	simm.s32 $0x6D80  }
0x1f1: {  	[tilespmem:s20], [sflag:$0x2] =	stream.indirect_vreg.gather [hbm4b:s12+s4], $0x80, v20, vm0, $0xb8;
	[tilespmem:$0x1EE80] =	vst v63  }
0x1f2: {  	v26 =	vperm.xlane v19, v16;
	s1 =	simm.s32 $0x6E00;
	v20 =	vadd.s32 v5, v25  }
0x1f3: {  	[tilespmem:s1], [sflag:$0x2] =	stream.indirect_vreg.gather [hbm4b:s12+s4], $0x80, v62, vm0, $0xb8;
	[tilespmem:$0x1EE80] =	vst v63  }
0x1f4: {  	v28 =	vperm.xlane v19, v17;
	v27 =	vadd.s32 v5, v26;
	s20 =	simm.s32 $0x6E80  }
0x1f5: {  	[tilespmem:s20], [sflag:$0x2] =	stream.indirect_vreg.gather [hbm4b:s12+s4], $0x80, v24, vm0, $0xb8;
	[tilespmem:$0x1EE80] =	vst v63  }
0x1f6: {  	v19 =	vperm.xlane v19, v18;
	v29 =	vadd.s32 v5, v28;
	s1 =	simm.s32 $0x6F00  }
0x1f7: {  	[tilespmem:s1], [sflag:$0x2] =	stream.indirect_vreg.gather [hbm4b:s12+s4], $0x80, v20, vm0, $0xb8;
	[tilespmem:$0x1EE80] =	vst v63  }
0x1f8: {  	v19 =	vadd.s32 v5, v19;
	s20 =	simm.s32 $0x6F80  }
0x1f9: {  	[tilespmem:s20], [sflag:$0x2] =	stream.indirect_vreg.gather [hbm4b:s12+s4], $0x80, v27, vm0, $0xb8;
	[tilespmem:$0x1EE80] =	vst v63  }
0x1fa: {  	s1 =	simm.s32 $0x7000  }
0x1fb: {  	[tilespmem:s1], [sflag:$0x2] =	stream.indirect_vreg.gather [hbm4b:s12+s4], $0x80, v29, vm0, $0xb8;
	[tilespmem:$0x1EE80] =	vst v63  }
0x1fc: {  	s20 =	simm.s32 $0x7080  }
0x1fd: {  	[tilespmem:s20], [sflag:$0x2] =	stream.indirect_vreg.gather [hbm4b:s12+s4], $0x80, v19, vm0, $0xb8;
	[tilespmem:$0x1EE80] =	vst v63  }
0x1fe: {  	v19 =	vld [tilespmem:s24+$0xFFFFFFD0];
	_ =	sdelay $0x4  }
0x1ff: {  	v20 =	vshll.u32 v19, $0x1  }
0x200: {  	v19 =	vand.u32 $0x7, v19;
	v20 =	vand.u32 $0xFFFFFFF0, v20  }
0x201: {  	v19 =	vor.u32 v19, v20  }
0x202: {  	v20 =	vperm.xlane v19, v4;
	_ =	sdelay $0x1  }
0x203: {  	v30 =	vperm.xlane v19, v3;
	v20 =	vadd.s32 v5, v20;
	_ =	sdelay $0x1  }
0x204: {  	v31 =	vperm.xlane v19, v6;
	v21 =	vadd.s32 v5, v30;
	_ =	sdelay $0x1  }
0x205: {  	s1 =	simm.s32 $0x7100;
	v32 =	vperm.xlane v19, v7;
	v22 =	vadd.s32 v5, v31  }
0x206: {  	[tilespmem:s1], [sflag:$0x2] =	stream.indirect_vreg.gather [hbm4b:s12+s4], $0x80, v20, vm0, $0xb8;
	[tilespmem:$0x1EE80] =	vst v63  }
0x207: {  	s20 =	simm.s32 $0x7180;
	v33 =	vperm.xlane v19, v8;
	v20 =	vadd.s32 v5, v32  }
0x208: {  	[tilespmem:s20], [sflag:$0x2] =	stream.indirect_vreg.gather [hbm4b:s12+s4], $0x80, v21, vm0, $0xb8;
	[tilespmem:$0x1EE80] =	vst v63  }
0x209: {  	v35 =	vperm.xlane v19, v9;
	v34 =	vadd.s32 v5, v33;
	s1 =	simm.s32 $0x7200  }
0x20a: {  	[tilespmem:s1], [sflag:$0x2] =	stream.indirect_vreg.gather [hbm4b:s12+s4], $0x80, v22, vm0, $0xb8;
	[tilespmem:$0x1EE80] =	vst v63  }
0x20b: {  	v37 =	vperm.xlane v19, v10;
	v36 =	vadd.s32 v5, v35;
	s20 =	simm.s32 $0x7280  }
0x20c: {  	[tilespmem:s20], [sflag:$0x2] =	stream.indirect_vreg.gather [hbm4b:s12+s4], $0x80, v20, vm0, $0xb8;
	[tilespmem:$0x1EE80] =	vst v63  }
0x20d: {  	v38 =	vperm.xlane v19, v2;
	s1 =	simm.s32 $0x7300;
	v20 =	vadd.s32 v5, v37  }
0x20e: {  	[tilespmem:s1], [sflag:$0x2] =	stream.indirect_vreg.gather [hbm4b:s12+s4], $0x80, v34, vm0, $0xb8;
	[tilespmem:$0x1EE80] =	vst v63  }
0x20f: {  	v40 =	vperm.xlane v19, v11;
	v39 =	vadd.s32 v5, v38;
	s20 =	simm.s32 $0x7380  }
0x210: {  	[tilespmem:s20], [sflag:$0x2] =	stream.indirect_vreg.gather [hbm4b:s12+s4], $0x80, v36, vm0, $0xb8;
	[tilespmem:$0x1EE80] =	vst v63  }
0x211: {  	v42 =	vperm.xlane v19, v12;
	v41 =	vadd.s32 v5, v40;
	s1 =	simm.s32 $0x7400  }
0x212: {  	[tilespmem:s1], [sflag:$0x2] =	stream.indirect_vreg.gather [hbm4b:s12+s4], $0x80, v20, vm0, $0xb8;
	[tilespmem:$0x1EE80] =	vst v63  }
0x213: {  	v43 =	vperm.xlane v19, v13;
	s20 =	simm.s32 $0x7480;
	v20 =	vadd.s32 v5, v42  }
0x214: {  	[tilespmem:s20], [sflag:$0x2] =	stream.indirect_vreg.gather [hbm4b:s12+s4], $0x80, v39, vm0, $0xb8;
	[tilespmem:$0x1EE80] =	vst v63  }
0x215: {  	v45 =	vperm.xlane v19, v14;
	v44 =	vadd.s32 v5, v43;
	s1 =	simm.s32 $0x7500  }
0x216: {  	[tilespmem:s1], [sflag:$0x2] =	stream.indirect_vreg.gather [hbm4b:s12+s4], $0x80, v41, vm0, $0xb8;
	[tilespmem:$0x1EE80] =	vst v63  }
0x217: {  	v47 =	vperm.xlane v19, v15;
	v46 =	vadd.s32 v5, v45;
	s20 =	simm.s32 $0x7580  }
0x218: {  	[tilespmem:s20], [sflag:$0x2] =	stream.indirect_vreg.gather [hbm4b:s12+s4], $0x80, v20, vm0, $0xb8;
	[tilespmem:$0x1EE80] =	vst v63  }
0x219: {  	v48 =	vperm.xlane v19, v16;
	s1 =	simm.s32 $0x7600;
	v20 =	vadd.s32 v5, v47  }
0x21a: {  	[tilespmem:s1], [sflag:$0x2] =	stream.indirect_vreg.gather [hbm4b:s12+s4], $0x80, v44, vm0, $0xb8;
	[tilespmem:$0x1EE80] =	vst v63  }
0x21b: {  	v50 =	vperm.xlane v19, v17;
	v49 =	vadd.s32 v5, v48;
	s20 =	simm.s32 $0x7680  }
0x21c: {  	[tilespmem:s20], [sflag:$0x2] =	stream.indirect_vreg.gather [hbm4b:s12+s4], $0x80, v46, vm0, $0xb8;
	[tilespmem:$0x1EE80] =	vst v63  }
0x21d: {  	v19 =	vperm.xlane v19, v18;
	v51 =	vadd.s32 v5, v50;
	s1 =	simm.s32 $0x7700  }
0x21e: {  	[tilespmem:s1], [sflag:$0x2] =	stream.indirect_vreg.gather [hbm4b:s12+s4], $0x80, v20, vm0, $0xb8;
	[tilespmem:$0x1EE80] =	vst v63  }
0x21f: {  	v19 =	vadd.s32 v5, v19;
	s20 =	simm.s32 $0x7780  }
0x220: {  	[tilespmem:s20], [sflag:$0x2] =	stream.indirect_vreg.gather [hbm4b:s12+s4], $0x80, v49, vm0, $0xb8;
	[tilespmem:$0x1EE80] =	vst v63  }
0x221: {  	s1 =	simm.s32 $0x7800  }
0x222: {  	[tilespmem:s1], [sflag:$0x2] =	stream.indirect_vreg.gather [hbm4b:s12+s4], $0x80, v51, vm0, $0xb8;
	[tilespmem:$0x1EE80] =	vst v63  }
0x223: {  	s20 =	simm.s32 $0x7880  }
0x224: {  	[tilespmem:s20], [sflag:$0x2] =	stream.indirect_vreg.gather [hbm4b:s12+s4], $0x80, v19, vm0, $0xb8;
	[tilespmem:$0x1EE80] =	vst v63  }
0x225: {  	v19 =	vld [tilespmem:s24+$0xFFFFFFE0];
	_ =	sdelay $0x4  }
0x226: {  	v20 =	vshll.u32 v19, $0x1  }
0x227: {  	v19 =	vand.u32 $0x7, v19;
	v20 =	vand.u32 $0xFFFFFFF0, v20  }
0x228: {  	v19 =	vor.u32 v19, v20  }
0x229: {  	v20 =	vperm.xlane v19, v4;
	_ =	sdelay $0x1  }
0x22a: {  	v52 =	vperm.xlane v19, v3;
	v20 =	vadd.s32 v5, v20;
	_ =	sdelay $0x1  }
0x22b: {  	v53 =	vperm.xlane v19, v6;
	v21 =	vadd.s32 v5, v52;
	_ =	sdelay $0x1  }
0x22c: {  	s1 =	simm.s32 $0x7900;
	v54 =	vperm.xlane v19, v7;
	v22 =	vadd.s32 v5, v53  }
0x22d: {  	[tilespmem:s1], [sflag:$0x2] =	stream.indirect_vreg.gather [hbm4b:s12+s4], $0x80, v20, vm0, $0xb8;
	[tilespmem:$0x1EE80] =	vst v63  }
0x22e: {  	s20 =	simm.s32 $0x7980;
	v55 =	vperm.xlane v19, v8;
	v20 =	vadd.s32 v5, v54  }
0x22f: {  	[tilespmem:s20], [sflag:$0x2] =	stream.indirect_vreg.gather [hbm4b:s12+s4], $0x80, v21, vm0, $0xb8;
	[tilespmem:$0x1EE80] =	vst v63  }
0x230: {  	v57 =	vperm.xlane v19, v9;
	v56 =	vadd.s32 v5, v55;
	s1 =	simm.s32 $0x7A00  }
0x231: {  	[tilespmem:s1], [sflag:$0x2] =	stream.indirect_vreg.gather [hbm4b:s12+s4], $0x80, v22, vm0, $0xb8;
	[tilespmem:$0x1EE80] =	vst v63  }
0x232: {  	v59 =	vperm.xlane v19, v10;
	v58 =	vadd.s32 v5, v57;
	s20 =	simm.s32 $0x7A80  }
0x233: {  	[tilespmem:s20], [sflag:$0x2] =	stream.indirect_vreg.gather [hbm4b:s12+s4], $0x80, v20, vm0, $0xb8;
	[tilespmem:$0x1EE80] =	vst v63  }
0x234: {  	v60 =	vperm.xlane v19, v2;
	s1 =	simm.s32 $0x7B00;
	v20 =	vadd.s32 v5, v59  }
0x235: {  	[tilespmem:s1], [sflag:$0x2] =	stream.indirect_vreg.gather [hbm4b:s12+s4], $0x80, v56, vm0, $0xb8;
	[tilespmem:$0x1EE80] =	vst v63  }
0x236: {  	v62 =	vperm.xlane v19, v11;
	v61 =	vadd.s32 v5, v60;
	s20 =	simm.s32 $0x7B80  }
0x237: {  	[tilespmem:s20], [sflag:$0x2] =	stream.indirect_vreg.gather [hbm4b:s12+s4], $0x80, v58, vm0, $0xb8;
	[tilespmem:$0x1EE80] =	vst v63  }
0x238: {  	v24 =	vperm.xlane v19, v12;
	v63 =	vadd.s32 v5, v62;
	s1 =	simm.s32 $0x7C00  }
0x239: {  	[tilespmem:s1], [sflag:$0x2] =	stream.indirect_vreg.gather [hbm4b:s12+s4], $0x80, v20, vm0, $0xb8;
	[tilespmem:$0x1EE80] =	vst v63  }
0x23a: {  	v25 =	vperm.xlane v19, v13;
	s20 =	simm.s32 $0x7C80;
	v20 =	vadd.s32 v5, v24  }
0x23b: {  	[tilespmem:s20], [sflag:$0x2] =	stream.indirect_vreg.gather [hbm4b:s12+s4], $0x80, v61, vm0, $0xb8;
	[tilespmem:$0x1EE80] =	vst v63  }
0x23c: {  	v27 =	vperm.xlane v19, v14;
	v26 =	vadd.s32 v5, v25;
	s1 =	simm.s32 $0x7D00  }
0x23d: {  	[tilespmem:s1], [sflag:$0x2] =	stream.indirect_vreg.gather [hbm4b:s12+s4], $0x80, v63, vm0, $0xb8;
	[tilespmem:$0x1EE80] =	vst v63  }
0x23e: {  	v29 =	vperm.xlane v19, v15;
	v28 =	vadd.s32 v5, v27;
	s20 =	simm.s32 $0x7D80  }
0x23f: {  	[tilespmem:s20], [sflag:$0x2] =	stream.indirect_vreg.gather [hbm4b:s12+s4], $0x80, v20, vm0, $0xb8;
	[tilespmem:$0x1EE80] =	vst v63  }
0x240: {  	v30 =	vperm.xlane v19, v16;
	s1 =	simm.s32 $0x7E00;
	v20 =	vadd.s32 v5, v29  }
0x241: {  	[tilespmem:s1], [sflag:$0x2] =	stream.indirect_vreg.gather [hbm4b:s12+s4], $0x80, v26, vm0, $0xb8;
	[tilespmem:$0x1EE80] =	vst v63  }
0x242: {  	v32 =	vperm.xlane v19, v17;
	v31 =	vadd.s32 v5, v30;
	s20 =	simm.s32 $0x7E80  }
0x243: {  	[tilespmem:s20], [sflag:$0x2] =	stream.indirect_vreg.gather [hbm4b:s12+s4], $0x80, v28, vm0, $0xb8;
	[tilespmem:$0x1EE80] =	vst v63  }
0x244: {  	v19 =	vperm.xlane v19, v18;
	v33 =	vadd.s32 v5, v32;
	s1 =	simm.s32 $0x7F00  }
0x245: {  	[tilespmem:s1], [sflag:$0x2] =	stream.indirect_vreg.gather [hbm4b:s12+s4], $0x80, v20, vm0, $0xb8;
	[tilespmem:$0x1EE80] =	vst v63  }
0x246: {  	v19 =	vadd.s32 v5, v19;
	s20 =	simm.s32 $0x7F80  }
0x247: {  	[tilespmem:s20], [sflag:$0x2] =	stream.indirect_vreg.gather [hbm4b:s12+s4], $0x80, v31, vm0, $0xb8;
	[tilespmem:$0x1EE80] =	vst v63  }
0x248: {  	s1 =	simm.s32 $0x8000  }
0x249: {  	[tilespmem:s1], [sflag:$0x2] =	stream.indirect_vreg.gather [hbm4b:s12+s4], $0x80, v33, vm0, $0xb8;
	[tilespmem:$0x1EE80] =	vst v63  }
0x24a: {  	s20 =	simm.s32 $0x8080  }
0x24b: {  	[tilespmem:s20], [sflag:$0x2] =	stream.indirect_vreg.gather [hbm4b:s12+s4], $0x80, v19, vm0, $0xb8;
	[tilespmem:$0x1EE80] =	vst v63  }
0x24c: {  	v19 =	vld [tilespmem:s24+$0xFFFFFFF0];
	_ =	sdelay $0x4  }
0x24d: {  	v20 =	vshll.u32 v19, $0x1  }
0x24e: {  	v19 =	vand.u32 $0x7, v19;
	v20 =	vand.u32 $0xFFFFFFF0, v20  }
0x24f: {  	v19 =	vor.u32 v19, v20  }
0x250: {  	v20 =	vperm.xlane v19, v4;
	_ =	sdelay $0x1  }
0x251: {  	v34 =	vperm.xlane v19, v3;
	v20 =	vadd.s32 v5, v20;
	_ =	sdelay $0x1  }
0x252: {  	v35 =	vperm.xlane v19, v6;
	v21 =	vadd.s32 v5, v34;
	_ =	sdelay $0x1  }
0x253: {  	s1 =	simm.s32 $0x8100;
	v36 =	vperm.xlane v19, v7;
	v22 =	vadd.s32 v5, v35  }
0x254: {  	[tilespmem:s1], [sflag:$0x2] =	stream.indirect_vreg.gather [hbm4b:s12+s4], $0x80, v20, vm0, $0xb8;
	[tilespmem:$0x1EE80] =	vst v63  }
0x255: {  	s20 =	simm.s32 $0x8180;
	v37 =	vperm.xlane v19, v8;
	v20 =	vadd.s32 v5, v36  }
0x256: {  	[tilespmem:s20], [sflag:$0x2] =	stream.indirect_vreg.gather [hbm4b:s12+s4], $0x80, v21, vm0, $0xb8;
	[tilespmem:$0x1EE80] =	vst v63  }
0x257: {  	v39 =	vperm.xlane v19, v9;
	v38 =	vadd.s32 v5, v37;
	s1 =	simm.s32 $0x8200  }
0x258: {  	[tilespmem:s1], [sflag:$0x2] =	stream.indirect_vreg.gather [hbm4b:s12+s4], $0x80, v22, vm0, $0xb8;
	[tilespmem:$0x1EE80] =	vst v63  }
0x259: {  	v41 =	vperm.xlane v19, v10;
	v40 =	vadd.s32 v5, v39;
	s20 =	simm.s32 $0x8280  }
0x25a: {  	[tilespmem:s20], [sflag:$0x2] =	stream.indirect_vreg.gather [hbm4b:s12+s4], $0x80, v20, vm0, $0xb8;
	[tilespmem:$0x1EE80] =	vst v63  }
0x25b: {  	v42 =	vperm.xlane v19, v2;
	s1 =	simm.s32 $0x8300;
	v20 =	vadd.s32 v5, v41  }
0x25c: {  	[tilespmem:s1], [sflag:$0x2] =	stream.indirect_vreg.gather [hbm4b:s12+s4], $0x80, v38, vm0, $0xb8;
	[tilespmem:$0x1EE80] =	vst v63  }
0x25d: {  	v44 =	vperm.xlane v19, v11;
	v43 =	vadd.s32 v5, v42;
	s20 =	simm.s32 $0x8380  }
0x25e: {  	[tilespmem:s20], [sflag:$0x2] =	stream.indirect_vreg.gather [hbm4b:s12+s4], $0x80, v40, vm0, $0xb8;
	[tilespmem:$0x1EE80] =	vst v63  }
0x25f: {  	v46 =	vperm.xlane v19, v12;
	v45 =	vadd.s32 v5, v44;
	s1 =	simm.s32 $0x8400  }
0x260: {  	[tilespmem:s1], [sflag:$0x2] =	stream.indirect_vreg.gather [hbm4b:s12+s4], $0x80, v20, vm0, $0xb8;
	[tilespmem:$0x1EE80] =	vst v63  }
0x261: {  	v47 =	vperm.xlane v19, v13;
	s20 =	simm.s32 $0x8480;
	v20 =	vadd.s32 v5, v46  }
0x262: {  	[tilespmem:s20], [sflag:$0x2] =	stream.indirect_vreg.gather [hbm4b:s12+s4], $0x80, v43, vm0, $0xb8;
	[tilespmem:$0x1EE80] =	vst v63  }
0x263: {  	v49 =	vperm.xlane v19, v14;
	v48 =	vadd.s32 v5, v47;
	s1 =	simm.s32 $0x8500  }
0x264: {  	[tilespmem:s1], [sflag:$0x2] =	stream.indirect_vreg.gather [hbm4b:s12+s4], $0x80, v45, vm0, $0xb8;
	[tilespmem:$0x1EE80] =	vst v63  }
0x265: {  	v51 =	vperm.xlane v19, v15;
	v50 =	vadd.s32 v5, v49;
	s20 =	simm.s32 $0x8580  }
0x266: {  	[tilespmem:s20], [sflag:$0x2] =	stream.indirect_vreg.gather [hbm4b:s12+s4], $0x80, v20, vm0, $0xb8;
	[tilespmem:$0x1EE80] =	vst v63  }
0x267: {  	v52 =	vperm.xlane v19, v16;
	s1 =	simm.s32 $0x8600;
	v20 =	vadd.s32 v5, v51  }
0x268: {  	[tilespmem:s1], [sflag:$0x2] =	stream.indirect_vreg.gather [hbm4b:s12+s4], $0x80, v48, vm0, $0xb8;
	[tilespmem:$0x1EE80] =	vst v63  }
0x269: {  	v54 =	vperm.xlane v19, v17;
	v53 =	vadd.s32 v5, v52;
	s20 =	simm.s32 $0x8680  }
0x26a: {  	[tilespmem:s20], [sflag:$0x2] =	stream.indirect_vreg.gather [hbm4b:s12+s4], $0x80, v50, vm0, $0xb8;
	[tilespmem:$0x1EE80] =	vst v63  }
0x26b: {  	v19 =	vperm.xlane v19, v18;
	v55 =	vadd.s32 v5, v54;
	s1 =	simm.s32 $0x8700  }
0x26c: {  	[tilespmem:s1], [sflag:$0x2] =	stream.indirect_vreg.gather [hbm4b:s12+s4], $0x80, v20, vm0, $0xb8;
	[tilespmem:$0x1EE80] =	vst v63  }
0x26d: {  	v19 =	vadd.s32 v5, v19;
	s20 =	simm.s32 $0x8780  }
0x26e: {  	[tilespmem:s20], [sflag:$0x2] =	stream.indirect_vreg.gather [hbm4b:s12+s4], $0x80, v53, vm0, $0xb8;
	[tilespmem:$0x1EE80] =	vst v63  }
0x26f: {  	s1 =	simm.s32 $0x8800  }
0x270: {  	[tilespmem:s1], [sflag:$0x2] =	stream.indirect_vreg.gather [hbm4b:s12+s4], $0x80, v55, vm0, $0xb8;
	[tilespmem:$0x1EE80] =	vst v63  }
0x271: {  	s20 =	simm.s32 $0x8880  }
0x272: {  	[tilespmem:s20], [sflag:$0x2] =	stream.indirect_vreg.gather [hbm4b:s12+s4], $0x80, v19, vm0, $0xb8;
	[tilespmem:$0x1EE80] =	vst v63  }
0x273: {  	v19 =	vld [tilespmem:s24+$0x0];
	_ =	sdelay $0x4  }
0x274: {  	v20 =	vshll.u32 v19, $0x1  }
0x275: {  	v19 =	vand.u32 $0x7, v19;
	v20 =	vand.u32 $0xFFFFFFF0, v20  }
0x276: {  	v19 =	vor.u32 v19, v20  }
0x277: {  	v20 =	vperm.xlane v19, v4;
	_ =	sdelay $0x1  }
0x278: {  	v56 =	vperm.xlane v19, v3;
	v20 =	vadd.s32 v5, v20;
	_ =	sdelay $0x1  }
0x279: {  	v57 =	vperm.xlane v19, v6;
	v21 =	vadd.s32 v5, v56;
	_ =	sdelay $0x1  }
0x27a: {  	s1 =	simm.s32 $0x8900;
	v58 =	vperm.xlane v19, v7;
	v22 =	vadd.s32 v5, v57  }
0x27b: {  	[tilespmem:s1], [sflag:$0x2] =	stream.indirect_vreg.gather [hbm4b:s12+s4], $0x80, v20, vm0, $0xb8;
	[tilespmem:$0x1EE80] =	vst v63  }
0x27c: {  	s20 =	simm.s32 $0x8980;
	v59 =	vperm.xlane v19, v8;
	v20 =	vadd.s32 v5, v58  }
0x27d: {  	[tilespmem:s20], [sflag:$0x2] =	stream.indirect_vreg.gather [hbm4b:s12+s4], $0x80, v21, vm0, $0xb8;
	[tilespmem:$0x1EE80] =	vst v63  }
0x27e: {  	v61 =	vperm.xlane v19, v9;
	v60 =	vadd.s32 v5, v59;
	s1 =	simm.s32 $0x8A00  }
0x27f: {  	[tilespmem:s1], [sflag:$0x2] =	stream.indirect_vreg.gather [hbm4b:s12+s4], $0x80, v22, vm0, $0xb8;
	[tilespmem:$0x1EE80] =	vst v63  }
0x280: {  	v63 =	vperm.xlane v19, v10;
	v62 =	vadd.s32 v5, v61;
	s20 =	simm.s32 $0x8A80  }
0x281: {  	[tilespmem:s20], [sflag:$0x2] =	stream.indirect_vreg.gather [hbm4b:s12+s4], $0x80, v20, vm0, $0xb8;
	[tilespmem:$0x1EE80] =	vst v63  }
0x282: {  	v24 =	vperm.xlane v19, v2;
	s1 =	simm.s32 $0x8B00;
	v20 =	vadd.s32 v5, v63  }
0x283: {  	[tilespmem:s1], [sflag:$0x2] =	stream.indirect_vreg.gather [hbm4b:s12+s4], $0x80, v60, vm0, $0xb8;
	[tilespmem:$0x1EE80] =	vst v63  }
0x284: {  	v26 =	vperm.xlane v19, v11;
	v25 =	vadd.s32 v5, v24;
	s20 =	simm.s32 $0x8B80  }
0x285: {  	[tilespmem:s20], [sflag:$0x2] =	stream.indirect_vreg.gather [hbm4b:s12+s4], $0x80, v62, vm0, $0xb8;
	[tilespmem:$0x1EE80] =	vst v63  }
0x286: {  	v28 =	vperm.xlane v19, v12;
	v27 =	vadd.s32 v5, v26;
	s1 =	simm.s32 $0x8C00  }
0x287: {  	[tilespmem:s1], [sflag:$0x2] =	stream.indirect_vreg.gather [hbm4b:s12+s4], $0x80, v20, vm0, $0xb8;
	[tilespmem:$0x1EE80] =	vst v63  }
0x288: {  	v29 =	vperm.xlane v19, v13;
	s20 =	simm.s32 $0x8C80;
	v20 =	vadd.s32 v5, v28  }
0x289: {  	[tilespmem:s20], [sflag:$0x2] =	stream.indirect_vreg.gather [hbm4b:s12+s4], $0x80, v25, vm0, $0xb8;
	[tilespmem:$0x1EE80] =	vst v63  }
0x28a: {  	v31 =	vperm.xlane v19, v14;
	v30 =	vadd.s32 v5, v29;
	s1 =	simm.s32 $0x8D00  }
0x28b: {  	[tilespmem:s1], [sflag:$0x2] =	stream.indirect_vreg.gather [hbm4b:s12+s4], $0x80, v27, vm0, $0xb8;
	[tilespmem:$0x1EE80] =	vst v63  }
0x28c: {  	v33 =	vperm.xlane v19, v15;
	v32 =	vadd.s32 v5, v31;
	s20 =	simm.s32 $0x8D80  }
0x28d: {  	[tilespmem:s20], [sflag:$0x2] =	stream.indirect_vreg.gather [hbm4b:s12+s4], $0x80, v20, vm0, $0xb8;
	[tilespmem:$0x1EE80] =	vst v63  }
0x28e: {  	v34 =	vperm.xlane v19, v16;
	s1 =	simm.s32 $0x8E00;
	v20 =	vadd.s32 v5, v33  }
0x28f: {  	[tilespmem:s1], [sflag:$0x2] =	stream.indirect_vreg.gather [hbm4b:s12+s4], $0x80, v30, vm0, $0xb8;
	[tilespmem:$0x1EE80] =	vst v63  }
0x290: {  	v36 =	vperm.xlane v19, v17;
	v35 =	vadd.s32 v5, v34;
	s20 =	simm.s32 $0x8E80  }
0x291: {  	[tilespmem:s20], [sflag:$0x2] =	stream.indirect_vreg.gather [hbm4b:s12+s4], $0x80, v32, vm0, $0xb8;
	[tilespmem:$0x1EE80] =	vst v63  }
0x292: {  	v19 =	vperm.xlane v19, v18;
	v37 =	vadd.s32 v5, v36;
	s1 =	simm.s32 $0x8F00  }
0x293: {  	[tilespmem:s1], [sflag:$0x2] =	stream.indirect_vreg.gather [hbm4b:s12+s4], $0x80, v20, vm0, $0xb8;
	[tilespmem:$0x1EE80] =	vst v63  }
0x294: {  	v19 =	vadd.s32 v5, v19;
	s20 =	simm.s32 $0x8F80  }
0x295: {  	[tilespmem:s20], [sflag:$0x2] =	stream.indirect_vreg.gather [hbm4b:s12+s4], $0x80, v35, vm0, $0xb8;
	[tilespmem:$0x1EE80] =	vst v63  }
0x296: {  	s1 =	simm.s32 $0x9000  }
0x297: {  	[tilespmem:s1], [sflag:$0x2] =	stream.indirect_vreg.gather [hbm4b:s12+s4], $0x80, v37, vm0, $0xb8;
	[tilespmem:$0x1EE80] =	vst v63  }
0x298: {  	s20 =	simm.s32 $0x9080  }
0x299: {  	[tilespmem:s20], [sflag:$0x2] =	stream.indirect_vreg.gather [hbm4b:s12+s4], $0x80, v19, vm0, $0xb8;
	[tilespmem:$0x1EE80] =	vst v63  }
0x29a: {  	v19 =	vld [tilespmem:s24+$0x10];
	_ =	sdelay $0x4  }
0x29b: {  	v20 =	vshll.u32 v19, $0x1  }
0x29c: {  	v19 =	vand.u32 $0x7, v19;
	v20 =	vand.u32 $0xFFFFFFF0, v20  }
0x29d: {  	v19 =	vor.u32 v19, v20  }
0x29e: {  	v20 =	vperm.xlane v19, v4;
	_ =	sdelay $0x1  }
0x29f: {  	v38 =	vperm.xlane v19, v3;
	v20 =	vadd.s32 v5, v20;
	_ =	sdelay $0x1  }
0x2a0: {  	v39 =	vperm.xlane v19, v6;
	v21 =	vadd.s32 v5, v38;
	_ =	sdelay $0x1  }
0x2a1: {  	s1 =	simm.s32 $0x9100;
	v40 =	vperm.xlane v19, v7;
	v22 =	vadd.s32 v5, v39  }
0x2a2: {  	[tilespmem:s1], [sflag:$0x2] =	stream.indirect_vreg.gather [hbm4b:s12+s4], $0x80, v20, vm0, $0xb8;
	[tilespmem:$0x1EE80] =	vst v63  }
0x2a3: {  	s20 =	simm.s32 $0x9180;
	v41 =	vperm.xlane v19, v8;
	v20 =	vadd.s32 v5, v40  }
0x2a4: {  	[tilespmem:s20], [sflag:$0x2] =	stream.indirect_vreg.gather [hbm4b:s12+s4], $0x80, v21, vm0, $0xb8;
	[tilespmem:$0x1EE80] =	vst v63  }
0x2a5: {  	v43 =	vperm.xlane v19, v9;
	v42 =	vadd.s32 v5, v41;
	s1 =	simm.s32 $0x9200  }
0x2a6: {  	[tilespmem:s1], [sflag:$0x2] =	stream.indirect_vreg.gather [hbm4b:s12+s4], $0x80, v22, vm0, $0xb8;
	[tilespmem:$0x1EE80] =	vst v63  }
0x2a7: {  	v45 =	vperm.xlane v19, v10;
	v44 =	vadd.s32 v5, v43;
	s20 =	simm.s32 $0x9280  }
0x2a8: {  	[tilespmem:s20], [sflag:$0x2] =	stream.indirect_vreg.gather [hbm4b:s12+s4], $0x80, v20, vm0, $0xb8;
	[tilespmem:$0x1EE80] =	vst v63  }
0x2a9: {  	v46 =	vperm.xlane v19, v2;
	s1 =	simm.s32 $0x9300;
	v20 =	vadd.s32 v5, v45  }
0x2aa: {  	[tilespmem:s1], [sflag:$0x2] =	stream.indirect_vreg.gather [hbm4b:s12+s4], $0x80, v42, vm0, $0xb8;
	[tilespmem:$0x1EE80] =	vst v63  }
0x2ab: {  	v48 =	vperm.xlane v19, v11;
	v47 =	vadd.s32 v5, v46;
	s20 =	simm.s32 $0x9380  }
0x2ac: {  	[tilespmem:s20], [sflag:$0x2] =	stream.indirect_vreg.gather [hbm4b:s12+s4], $0x80, v44, vm0, $0xb8;
	[tilespmem:$0x1EE80] =	vst v63  }
0x2ad: {  	v50 =	vperm.xlane v19, v12;
	v49 =	vadd.s32 v5, v48;
	s1 =	simm.s32 $0x9400  }
0x2ae: {  	[tilespmem:s1], [sflag:$0x2] =	stream.indirect_vreg.gather [hbm4b:s12+s4], $0x80, v20, vm0, $0xb8;
	[tilespmem:$0x1EE80] =	vst v63  }
0x2af: {  	v51 =	vperm.xlane v19, v13;
	s20 =	simm.s32 $0x9480;
	v20 =	vadd.s32 v5, v50  }
0x2b0: {  	[tilespmem:s20], [sflag:$0x2] =	stream.indirect_vreg.gather [hbm4b:s12+s4], $0x80, v47, vm0, $0xb8;
	[tilespmem:$0x1EE80] =	vst v63  }
0x2b1: {  	v53 =	vperm.xlane v19, v14;
	v52 =	vadd.s32 v5, v51;
	s1 =	simm.s32 $0x9500  }
0x2b2: {  	[tilespmem:s1], [sflag:$0x2] =	stream.indirect_vreg.gather [hbm4b:s12+s4], $0x80, v49, vm0, $0xb8;
	[tilespmem:$0x1EE80] =	vst v63  }
0x2b3: {  	v55 =	vperm.xlane v19, v15;
	v54 =	vadd.s32 v5, v53;
	s20 =	simm.s32 $0x9580  }
0x2b4: {  	[tilespmem:s20], [sflag:$0x2] =	stream.indirect_vreg.gather [hbm4b:s12+s4], $0x80, v20, vm0, $0xb8;
	[tilespmem:$0x1EE80] =	vst v63  }
0x2b5: {  	v56 =	vperm.xlane v19, v16;
	s1 =	simm.s32 $0x9600;
	v20 =	vadd.s32 v5, v55  }
0x2b6: {  	[tilespmem:s1], [sflag:$0x2] =	stream.indirect_vreg.gather [hbm4b:s12+s4], $0x80, v52, vm0, $0xb8;
	[tilespmem:$0x1EE80] =	vst v63  }
0x2b7: {  	v58 =	vperm.xlane v19, v17;
	v57 =	vadd.s32 v5, v56;
	s20 =	simm.s32 $0x9680  }
0x2b8: {  	[tilespmem:s20], [sflag:$0x2] =	stream.indirect_vreg.gather [hbm4b:s12+s4], $0x80, v54, vm0, $0xb8;
	[tilespmem:$0x1EE80] =	vst v63  }
0x2b9: {  	v19 =	vperm.xlane v19, v18;
	v59 =	vadd.s32 v5, v58;
	s1 =	simm.s32 $0x9700  }
0x2ba: {  	[tilespmem:s1], [sflag:$0x2] =	stream.indirect_vreg.gather [hbm4b:s12+s4], $0x80, v20, vm0, $0xb8;
	[tilespmem:$0x1EE80] =	vst v63  }
0x2bb: {  	v19 =	vadd.s32 v5, v19;
	s20 =	simm.s32 $0x9780  }
0x2bc: {  	[tilespmem:s20], [sflag:$0x2] =	stream.indirect_vreg.gather [hbm4b:s12+s4], $0x80, v57, vm0, $0xb8;
	[tilespmem:$0x1EE80] =	vst v63  }
0x2bd: {  	s1 =	simm.s32 $0x9800  }
0x2be: {  	[tilespmem:s1], [sflag:$0x2] =	stream.indirect_vreg.gather [hbm4b:s12+s4], $0x80, v59, vm0, $0xb8;
	[tilespmem:$0x1EE80] =	vst v63  }
0x2bf: {  	s20 =	simm.s32 $0x9880  }
0x2c0: {  	[tilespmem:s20], [sflag:$0x2] =	stream.indirect_vreg.gather [hbm4b:s12+s4], $0x80, v19, vm0, $0xb8;
	[tilespmem:$0x1EE80] =	vst v63  }
0x2c1: {  	v19 =	vld [tilespmem:s24+$0x20];
	_ =	sdelay $0x4  }
0x2c2: {  	v20 =	vshll.u32 v19, $0x1  }
0x2c3: {  	v19 =	vand.u32 $0x7, v19;
	v20 =	vand.u32 $0xFFFFFFF0, v20  }
0x2c4: {  	v19 =	vor.u32 v19, v20  }
0x2c5: {  	v20 =	vperm.xlane v19, v4;
	_ =	sdelay $0x1  }
0x2c6: {  	v60 =	vperm.xlane v19, v3;
	v20 =	vadd.s32 v5, v20;
	_ =	sdelay $0x1  }
0x2c7: {  	v61 =	vperm.xlane v19, v6;
	v21 =	vadd.s32 v5, v60;
	_ =	sdelay $0x1  }
0x2c8: {  	s1 =	simm.s32 $0x9900;
	v62 =	vperm.xlane v19, v7;
	v22 =	vadd.s32 v5, v61  }
0x2c9: {  	[tilespmem:s1], [sflag:$0x2] =	stream.indirect_vreg.gather [hbm4b:s12+s4], $0x80, v20, vm0, $0xb8;
	[tilespmem:$0x1EE80] =	vst v63  }
0x2ca: {  	s20 =	simm.s32 $0x9980;
	v63 =	vperm.xlane v19, v8;
	v20 =	vadd.s32 v5, v62  }
0x2cb: {  	[tilespmem:s20], [sflag:$0x2] =	stream.indirect_vreg.gather [hbm4b:s12+s4], $0x80, v21, vm0, $0xb8;
	[tilespmem:$0x1EE80] =	vst v63  }
0x2cc: {  	v25 =	vperm.xlane v19, v9;
	v24 =	vadd.s32 v5, v63;
	s1 =	simm.s32 $0x9A00  }
0x2cd: {  	[tilespmem:s1], [sflag:$0x2] =	stream.indirect_vreg.gather [hbm4b:s12+s4], $0x80, v22, vm0, $0xb8;
	[tilespmem:$0x1EE80] =	vst v63  }
0x2ce: {  	v27 =	vperm.xlane v19, v10;
	v26 =	vadd.s32 v5, v25;
	s20 =	simm.s32 $0x9A80  }
0x2cf: {  	[tilespmem:s20], [sflag:$0x2] =	stream.indirect_vreg.gather [hbm4b:s12+s4], $0x80, v20, vm0, $0xb8;
	[tilespmem:$0x1EE80] =	vst v63  }
0x2d0: {  	v28 =	vperm.xlane v19, v2;
	s1 =	simm.s32 $0x9B00;
	v20 =	vadd.s32 v5, v27  }
0x2d1: {  	[tilespmem:s1], [sflag:$0x2] =	stream.indirect_vreg.gather [hbm4b:s12+s4], $0x80, v24, vm0, $0xb8;
	[tilespmem:$0x1EE80] =	vst v63  }
0x2d2: {  	v30 =	vperm.xlane v19, v11;
	v29 =	vadd.s32 v5, v28;
	s20 =	simm.s32 $0x9B80  }
0x2d3: {  	[tilespmem:s20], [sflag:$0x2] =	stream.indirect_vreg.gather [hbm4b:s12+s4], $0x80, v26, vm0, $0xb8;
	[tilespmem:$0x1EE80] =	vst v63  }
0x2d4: {  	v32 =	vperm.xlane v19, v12;
	v31 =	vadd.s32 v5, v30;
	s1 =	simm.s32 $0x9C00  }
0x2d5: {  	[tilespmem:s1], [sflag:$0x2] =	stream.indirect_vreg.gather [hbm4b:s12+s4], $0x80, v20, vm0, $0xb8;
	[tilespmem:$0x1EE80] =	vst v63  }
0x2d6: {  	v33 =	vperm.xlane v19, v13;
	s20 =	simm.s32 $0x9C80;
	v20 =	vadd.s32 v5, v32  }
0x2d7: {  	[tilespmem:s20], [sflag:$0x2] =	stream.indirect_vreg.gather [hbm4b:s12+s4], $0x80, v29, vm0, $0xb8;
	[tilespmem:$0x1EE80] =	vst v63  }
0x2d8: {  	v35 =	vperm.xlane v19, v14;
	v34 =	vadd.s32 v5, v33;
	s1 =	simm.s32 $0x9D00  }
0x2d9: {  	[tilespmem:s1], [sflag:$0x2] =	stream.indirect_vreg.gather [hbm4b:s12+s4], $0x80, v31, vm0, $0xb8;
	[tilespmem:$0x1EE80] =	vst v63  }
0x2da: {  	v37 =	vperm.xlane v19, v15;
	v36 =	vadd.s32 v5, v35;
	s20 =	simm.s32 $0x9D80  }
0x2db: {  	[tilespmem:s20], [sflag:$0x2] =	stream.indirect_vreg.gather [hbm4b:s12+s4], $0x80, v20, vm0, $0xb8;
	[tilespmem:$0x1EE80] =	vst v63  }
0x2dc: {  	v38 =	vperm.xlane v19, v16;
	s1 =	simm.s32 $0x9E00;
	v20 =	vadd.s32 v5, v37  }
0x2dd: {  	[tilespmem:s1], [sflag:$0x2] =	stream.indirect_vreg.gather [hbm4b:s12+s4], $0x80, v34, vm0, $0xb8;
	[tilespmem:$0x1EE80] =	vst v63  }
0x2de: {  	v40 =	vperm.xlane v19, v17;
	v39 =	vadd.s32 v5, v38;
	s20 =	simm.s32 $0x9E80  }
0x2df: {  	[tilespmem:s20], [sflag:$0x2] =	stream.indirect_vreg.gather [hbm4b:s12+s4], $0x80, v36, vm0, $0xb8;
	[tilespmem:$0x1EE80] =	vst v63  }
0x2e0: {  	v19 =	vperm.xlane v19, v18;
	v41 =	vadd.s32 v5, v40;
	s1 =	simm.s32 $0x9F00  }
0x2e1: {  	[tilespmem:s1], [sflag:$0x2] =	stream.indirect_vreg.gather [hbm4b:s12+s4], $0x80, v20, vm0, $0xb8;
	[tilespmem:$0x1EE80] =	vst v63  }
0x2e2: {  	v19 =	vadd.s32 v5, v19;
	s20 =	simm.s32 $0x9F80  }
0x2e3: {  	[tilespmem:s20], [sflag:$0x2] =	stream.indirect_vreg.gather [hbm4b:s12+s4], $0x80, v39, vm0, $0xb8;
	[tilespmem:$0x1EE80] =	vst v63  }
0x2e4: {  	s1 =	simm.s32 $0xA000  }
0x2e5: {  	[tilespmem:s1], [sflag:$0x2] =	stream.indirect_vreg.gather [hbm4b:s12+s4], $0x80, v41, vm0, $0xb8;
	[tilespmem:$0x1EE80] =	vst v63  }
0x2e6: {  	_ = 	snop  }
0x2e7: {  	[tilespmem:s15], [sflag:$0x2] =	stream.indirect_vreg.gather [hbm4b:s12+s4], $0x80, v19, vm0, $0xb8;
	[tilespmem:$0x1EE80] =	vst v63  }
0x2e8: {  	v19 =	vld [tilespmem:s24+$0x30];
	_ =	sdelay $0x4  }
0x2e9: {  	v20 =	vshll.u32 v19, $0x1  }
0x2ea: {  	v19 =	vand.u32 $0x7, v19;
	v20 =	vand.u32 $0xFFFFFFF0, v20  }
0x2eb: {  	v19 =	vor.u32 v19, v20  }
0x2ec: {  	v20 =	vperm.xlane v19, v4;
	_ =	sdelay $0x1  }
0x2ed: {  	v42 =	vperm.xlane v19, v3;
	v20 =	vadd.s32 v5, v20;
	_ =	sdelay $0x1  }
0x2ee: {  	v43 =	vperm.xlane v19, v6;
	v21 =	vadd.s32 v5, v42;
	_ =	sdelay $0x1  }
0x2ef: {  	v44 =	vperm.xlane v19, v7;
	v22 =	vadd.s32 v5, v43  }
0x2f0: {  	[tilespmem:s16], [sflag:$0x2] =	stream.indirect_vreg.gather [hbm4b:s12+s4], $0x80, v20, vm0, $0xb8;
	[tilespmem:$0x1EE80] =	vst v63  }
0x2f1: {  	v45 =	vperm.xlane v19, v8;
	v20 =	vadd.s32 v5, v44  }
0x2f2: {  	[tilespmem:s10], [sflag:$0x2] =	stream.indirect_vreg.gather [hbm4b:s12+s4], $0x80, v21, vm0, $0xb8;
	[tilespmem:$0x1EE80] =	vst v63  }
0x2f3: {  	v47 =	vperm.xlane v19, v9;
	v46 =	vadd.s32 v5, v45  }
0x2f4: {  	[tilespmem:s5], [sflag:$0x2] =	stream.indirect_vreg.gather [hbm4b:s12+s4], $0x80, v22, vm0, $0xb8;
	[tilespmem:$0x1EE80] =	vst v63  }
0x2f5: {  	v49 =	vperm.xlane v19, v10;
	v48 =	vadd.s32 v5, v47  }
0x2f6: {  	[tilespmem:s13], [sflag:$0x2] =	stream.indirect_vreg.gather [hbm4b:s12+s4], $0x80, v20, vm0, $0xb8;
	[tilespmem:$0x1EE80] =	vst v63  }
0x2f7: {  	v50 =	vperm.xlane v19, v2;
	v20 =	vadd.s32 v5, v49  }
0x2f8: {  	[tilespmem:s14], [sflag:$0x2] =	stream.indirect_vreg.gather [hbm4b:s12+s4], $0x80, v46, vm0, $0xb8;
	[tilespmem:$0x1EE80] =	vst v63  }
0x2f9: {  	v52 =	vperm.xlane v19, v11;
	v51 =	vadd.s32 v5, v50  }
0x2fa: {  	[tilespmem:s11], [sflag:$0x2] =	stream.indirect_vreg.gather [hbm4b:s12+s4], $0x80, v48, vm0, $0xb8;
	[tilespmem:$0x1EE80] =	vst v63  }
0x2fb: {  	s20 =	simm.s32 $0xA400;
	v54 =	vperm.xlane v19, v12;
	v53 =	vadd.s32 v5, v52  }
0x2fc: {  	[tilespmem:s20], [sflag:$0x2] =	stream.indirect_vreg.gather [hbm4b:s12+s4], $0x80, v20, vm0, $0xb8;
	[tilespmem:$0x1EE80] =	vst v63  }
0x2fd: {  	s1 =	simm.s32 $0xA480;
	v55 =	vperm.xlane v19, v13;
	v20 =	vadd.s32 v5, v54  }
0x2fe: {  	[tilespmem:s1], [sflag:$0x2] =	stream.indirect_vreg.gather [hbm4b:s12+s4], $0x80, v51, vm0, $0xb8;
	[tilespmem:$0x1EE80] =	vst v63  }
0x2ff: {  	v57 =	vperm.xlane v19, v14;
	v56 =	vadd.s32 v5, v55  }
0x300: {  	[tilespmem:s8], [sflag:$0x2] =	stream.indirect_vreg.gather [hbm4b:s12+s4], $0x80, v53, vm0, $0xb8;
	[tilespmem:$0x1EE80] =	vst v63  }
0x301: {  	v59 =	vperm.xlane v19, v15;
	v58 =	vadd.s32 v5, v57  }
0x302: {  	[tilespmem:s9], [sflag:$0x2] =	stream.indirect_vreg.gather [hbm4b:s12+s4], $0x80, v20, vm0, $0xb8;
	[tilespmem:$0x1EE80] =	vst v63  }
0x303: {  	v60 =	vperm.xlane v19, v16;
	v20 =	vadd.s32 v5, v59  }
0x304: {  	[tilespmem:s7], [sflag:$0x2] =	stream.indirect_vreg.gather [hbm4b:s12+s4], $0x80, v56, vm0, $0xb8;
	[tilespmem:$0x1EE80] =	vst v63  }
0x305: {  	v62 =	vperm.xlane v19, v17;
	v61 =	vadd.s32 v5, v60  }
0x306: {  	[tilespmem:s6], [sflag:$0x2] =	stream.indirect_vreg.gather [hbm4b:s12+s4], $0x80, v58, vm0, $0xb8;
	[tilespmem:$0x1EE80] =	vst v63  }
0x307: {  	v19 =	vperm.xlane v19, v18;
	v63 =	vadd.s32 v5, v62;
	s20 =	simm.s32 $0xA700  }
0x308: {  	[tilespmem:s20], [sflag:$0x2] =	stream.indirect_vreg.gather [hbm4b:s12+s4], $0x80, v20, vm0, $0xb8;
	[tilespmem:$0x1EE80] =	vst v63  }
0x309: {  	v19 =	vadd.s32 v5, v19;
	s1 =	simm.s32 $0xA780  }
0x30a: {  	[tilespmem:s1], [sflag:$0x2] =	stream.indirect_vreg.gather [hbm4b:s12+s4], $0x80, v61, vm0, $0xb8;
	[tilespmem:$0x1EE80] =	vst v63  }
0x30b: {  	s20 =	simm.s32 $0xA800  }
0x30c: {  	[tilespmem:s20], [sflag:$0x2] =	stream.indirect_vreg.gather [hbm4b:s12+s4], $0x80, v63, vm0, $0xb8;
	[tilespmem:$0x1EE80] =	vst v63  }
0x30d: {  	s31 =	sadd.s32 s23, s17;
	s1 =	simm.s32 $0xA880  }
0x30e: {  	[tilespmem:s1], [sflag:$0x2] =	stream.indirect_vreg.gather [hbm4b:s12+s4], $0x80, v19, vm0, $0xb8;
	[tilespmem:$0x1EE80] =	vst v63  }
0x30f: {  	s20 =	sadd.s32 $0x10, s31  }
0x310: {  	[tilespmem:s26], [sflag:$0x2] =	stream.linear.gather [hbm4b:s20+s4], $0x80, $0x38;
	[tilespmem:$0x1EE80] =	vst v63  }
0x311: {  	_ =	swait.ge [sflag:s28], $0x4000  }
0x312: {  	[sflag:s28] =	ssyncset.done $0x0  }
0x313: {  	[sflag:s28] =	ssyncadd.s32 $0xFFFFC000  }
0x314: {  	p1 =	sgt.u32 s19, $0x13;
	_ =	swait.ge [sflag:s28], $0x80  }
0x315: {  	s0 =	simm.s32 $0x1;
	s20 =	simm.s32 $0x1;
	[sflag:s28] =	ssyncset.done $0x0  }
0x316: {  	s0 =	simm.s32 @!p1 $0x0;
	s20 =	simm.s32 @!p0 $0x0;
	[sflag:s28] =	ssyncadd.s32 $0xFFFFFF80  }
0x317: {  	[spmem:s2] =	stream.indirect.scatter.add.f32 [tilespmem:s18], [sflag:$0x4], $0x80, s29, s25, $0xb8;
	[tilespmem:$0x1EE80] =	vst v63  }
0x318: {  	p2 =	seq.s32 s20, s0;
	_ =	swait.ge [sflag:s21], $0x4000  }
0x319: {  	p3 =	seq.s32 s23, $0x4E0;
	s0 =	simm.s32 @!p2 $0x80;
	[sflag:s21] =	ssyncset.done $0x0  }
0x31a: {  	s20 =	simm.s32 @!p2 $0x2800;
	s1 =	simm.s32 @!p2 $0xA900;
	[sflag:s21] =	ssyncadd.s32 $0xFFFFC000  }
0x31b: {  	[spmem:s3] =	stream.indirect.scatter.add.f32 @!p2 [tilespmem:s1], [sflag:$0x4], $0x1, s20, s0, $0xb8;
	[tilespmem:$0x1EE80] =	vst v63  }
.Ltmp5:
0x31c: {  	_ = 	snop;
	(pc) =	sbr.rel @p3 .LBB2_6-.Ltmp5, $4  }
0x31d: {  	s0 =	simm.s32 @!p2 $0x4  }
0x31e: {  	_ =	swait.ge @!p2 [sflag:s0], $0x80  }
0x31f: {  	[sflag:s0] =	ssyncset.done @!p2 $0x0  }
0x320: {  	[sflag:s0] =	ssyncadd.s32 @!p2 $0xFFFFFF80  }
0x321: {  	v19 =	vld [tilespmem:s24+$0x40];
	_ =	sdelay $0x4  }
0x322: {  	v20 =	vshll.u32 v19, $0x1  }
0x323: {  	v19 =	vand.u32 $0x7, v19;
	v20 =	vand.u32 $0xFFFFFFF0, v20  }
0x324: {  	v19 =	vor.u32 v19, v20  }
0x325: {  	v20 =	vperm.xlane v19, v4;
	_ =	sdelay $0x1  }
0x326: {  	v21 =	vperm.xlane v19, v3;
	v20 =	vadd.s32 v5, v20;
	_ =	sdelay $0x1  }
0x327: {  	v22 =	vperm.xlane v19, v6;
	v21 =	vadd.s32 v5, v21;
	_ =	sdelay $0x1  }
0x328: {  	v23 =	vperm.xlane v19, v7;
	v22 =	vadd.s32 v5, v22  }
0x329: {  	[tilespmem:s18], [sflag:$0x1] =	stream.indirect_vreg.gather [hbm4b:s12+s4], $0x80, v20, vm0, $0xb8;
	[tilespmem:$0x1EE80] =	vst v63  }
0x32a: {  	s0 =	simm.s32 $0x2980;
	v51 =	vperm.xlane v19, v8;
	v20 =	vadd.s32 v5, v23  }
0x32b: {  	[tilespmem:s0], [sflag:$0x1] =	stream.indirect_vreg.gather [hbm4b:s12+s4], $0x80, v21, vm0, $0xb8;
	[tilespmem:$0x1EE80] =	vst v63  }
0x32c: {  	s1 =	simm.s32 $0x2A00;
	v53 =	vperm.xlane v19, v9;
	v52 =	vadd.s32 v5, v51  }
0x32d: {  	[tilespmem:s1], [sflag:$0x1] =	stream.indirect_vreg.gather [hbm4b:s12+s4], $0x80, v22, vm0, $0xb8;
	[tilespmem:$0x1EE80] =	vst v63  }
0x32e: {  	s20 =	simm.s32 $0x2A80;
	v55 =	vperm.xlane v19, v10;
	v54 =	vadd.s32 v5, v53  }
0x32f: {  	[tilespmem:s20], [sflag:$0x1] =	stream.indirect_vreg.gather [hbm4b:s12+s4], $0x80, v20, vm0, $0xb8;
	[tilespmem:$0x1EE80] =	vst v63  }
0x330: {  	v56 =	vperm.xlane v19, v2;
	s1 =	simm.s32 $0x2B00;
	v20 =	vadd.s32 v5, v55  }
0x331: {  	[tilespmem:s1], [sflag:$0x1] =	stream.indirect_vreg.gather [hbm4b:s12+s4], $0x80, v52, vm0, $0xb8;
	[tilespmem:$0x1EE80] =	vst v63  }
0x332: {  	v58 =	vperm.xlane v19, v11;
	v57 =	vadd.s32 v5, v56;
	s20 =	simm.s32 $0x2B80  }
0x333: {  	[tilespmem:s20], [sflag:$0x1] =	stream.indirect_vreg.gather [hbm4b:s12+s4], $0x80, v54, vm0, $0xb8;
	[tilespmem:$0x1EE80] =	vst v63  }
0x334: {  	v60 =	vperm.xlane v19, v12;
	v59 =	vadd.s32 v5, v58;
	s1 =	simm.s32 $0x2C00  }
0x335: {  	[tilespmem:s1], [sflag:$0x1] =	stream.indirect_vreg.gather [hbm4b:s12+s4], $0x80, v20, vm0, $0xb8;
	[tilespmem:$0x1EE80] =	vst v63  }
0x336: {  	v61 =	vperm.xlane v19, v13;
	s20 =	simm.s32 $0x2C80;
	v20 =	vadd.s32 v5, v60  }
0x337: {  	[tilespmem:s20], [sflag:$0x1] =	stream.indirect_vreg.gather [hbm4b:s12+s4], $0x80, v57, vm0, $0xb8;
	[tilespmem:$0x1EE80] =	vst v63  }
0x338: {  	v63 =	vperm.xlane v19, v14;
	v62 =	vadd.s32 v5, v61;
	s1 =	simm.s32 $0x2D00  }
0x339: {  	[tilespmem:s1], [sflag:$0x1] =	stream.indirect_vreg.gather [hbm4b:s12+s4], $0x80, v59, vm0, $0xb8;
	[tilespmem:$0x1EE80] =	vst v63  }
0x33a: {  	v25 =	vperm.xlane v19, v15;
	v24 =	vadd.s32 v5, v63;
	s20 =	simm.s32 $0x2D80  }
0x33b: {  	[tilespmem:s20], [sflag:$0x1] =	stream.indirect_vreg.gather [hbm4b:s12+s4], $0x80, v20, vm0, $0xb8;
	[tilespmem:$0x1EE80] =	vst v63  }
0x33c: {  	v26 =	vperm.xlane v19, v16;
	s1 =	simm.s32 $0x2E00;
	v20 =	vadd.s32 v5, v25  }
0x33d: {  	[tilespmem:s1], [sflag:$0x1] =	stream.indirect_vreg.gather [hbm4b:s12+s4], $0x80, v62, vm0, $0xb8;
	[tilespmem:$0x1EE80] =	vst v63  }
0x33e: {  	v28 =	vperm.xlane v19, v17;
	v27 =	vadd.s32 v5, v26;
	s20 =	simm.s32 $0x2E80  }
0x33f: {  	[tilespmem:s20], [sflag:$0x1] =	stream.indirect_vreg.gather [hbm4b:s12+s4], $0x80, v24, vm0, $0xb8;
	[tilespmem:$0x1EE80] =	vst v63  }
0x340: {  	v19 =	vperm.xlane v19, v18;
	v29 =	vadd.s32 v5, v28;
	s1 =	simm.s32 $0x2F00  }
0x341: {  	[tilespmem:s1], [sflag:$0x1] =	stream.indirect_vreg.gather [hbm4b:s12+s4], $0x80, v20, vm0, $0xb8;
	[tilespmem:$0x1EE80] =	vst v63  }
0x342: {  	v19 =	vadd.s32 v5, v19;
	s20 =	simm.s32 $0x2F80  }
0x343: {  	[tilespmem:s20], [sflag:$0x1] =	stream.indirect_vreg.gather [hbm4b:s12+s4], $0x80, v27, vm0, $0xb8;
	[tilespmem:$0x1EE80] =	vst v63  }
0x344: {  	s1 =	simm.s32 $0x3000  }
0x345: {  	[tilespmem:s1], [sflag:$0x1] =	stream.indirect_vreg.gather [hbm4b:s12+s4], $0x80, v29, vm0, $0xb8;
	[tilespmem:$0x1EE80] =	vst v63  }
0x346: {  	s20 =	simm.s32 $0x3080  }
0x347: {  	[tilespmem:s20], [sflag:$0x1] =	stream.indirect_vreg.gather [hbm4b:s12+s4], $0x80, v19, vm0, $0xb8;
	[tilespmem:$0x1EE80] =	vst v63  }
0x348: {  	v19 =	vld [tilespmem:s24+$0x50];
	_ =	sdelay $0x4  }
0x349: {  	v20 =	vshll.u32 v19, $0x1  }
0x34a: {  	v19 =	vand.u32 $0x7, v19;
	v20 =	vand.u32 $0xFFFFFFF0, v20  }
0x34b: {  	v19 =	vor.u32 v19, v20  }
0x34c: {  	v20 =	vperm.xlane v19, v4;
	_ =	sdelay $0x1  }
0x34d: {  	v30 =	vperm.xlane v19, v3;
	v20 =	vadd.s32 v5, v20;
	_ =	sdelay $0x1  }
0x34e: {  	v31 =	vperm.xlane v19, v6;
	v21 =	vadd.s32 v5, v30;
	_ =	sdelay $0x1  }
0x34f: {  	s1 =	simm.s32 $0x3100;
	v32 =	vperm.xlane v19, v7;
	v22 =	vadd.s32 v5, v31  }
0x350: {  	[tilespmem:s1], [sflag:$0x1] =	stream.indirect_vreg.gather [hbm4b:s12+s4], $0x80, v20, vm0, $0xb8;
	[tilespmem:$0x1EE80] =	vst v63  }
0x351: {  	s20 =	simm.s32 $0x3180;
	v33 =	vperm.xlane v19, v8;
	v20 =	vadd.s32 v5, v32  }
0x352: {  	[tilespmem:s20], [sflag:$0x1] =	stream.indirect_vreg.gather [hbm4b:s12+s4], $0x80, v21, vm0, $0xb8;
	[tilespmem:$0x1EE80] =	vst v63  }
0x353: {  	v35 =	vperm.xlane v19, v9;
	v34 =	vadd.s32 v5, v33;
	s1 =	simm.s32 $0x3200  }
0x354: {  	[tilespmem:s1], [sflag:$0x1] =	stream.indirect_vreg.gather [hbm4b:s12+s4], $0x80, v22, vm0, $0xb8;
	[tilespmem:$0x1EE80] =	vst v63  }
0x355: {  	v37 =	vperm.xlane v19, v10;
	v36 =	vadd.s32 v5, v35;
	s20 =	simm.s32 $0x3280  }
0x356: {  	[tilespmem:s20], [sflag:$0x1] =	stream.indirect_vreg.gather [hbm4b:s12+s4], $0x80, v20, vm0, $0xb8;
	[tilespmem:$0x1EE80] =	vst v63  }
0x357: {  	v38 =	vperm.xlane v19, v2;
	s1 =	simm.s32 $0x3300;
	v20 =	vadd.s32 v5, v37  }
0x358: {  	[tilespmem:s1], [sflag:$0x1] =	stream.indirect_vreg.gather [hbm4b:s12+s4], $0x80, v34, vm0, $0xb8;
	[tilespmem:$0x1EE80] =	vst v63  }
0x359: {  	v40 =	vperm.xlane v19, v11;
	v39 =	vadd.s32 v5, v38;
	s20 =	simm.s32 $0x3380  }
0x35a: {  	[tilespmem:s20], [sflag:$0x1] =	stream.indirect_vreg.gather [hbm4b:s12+s4], $0x80, v36, vm0, $0xb8;
	[tilespmem:$0x1EE80] =	vst v63  }
0x35b: {  	v42 =	vperm.xlane v19, v12;
	v41 =	vadd.s32 v5, v40;
	s1 =	simm.s32 $0x3400  }
0x35c: {  	[tilespmem:s1], [sflag:$0x1] =	stream.indirect_vreg.gather [hbm4b:s12+s4], $0x80, v20, vm0, $0xb8;
	[tilespmem:$0x1EE80] =	vst v63  }
0x35d: {  	v43 =	vperm.xlane v19, v13;
	s20 =	simm.s32 $0x3480;
	v20 =	vadd.s32 v5, v42  }
0x35e: {  	[tilespmem:s20], [sflag:$0x1] =	stream.indirect_vreg.gather [hbm4b:s12+s4], $0x80, v39, vm0, $0xb8;
	[tilespmem:$0x1EE80] =	vst v63  }
0x35f: {  	v45 =	vperm.xlane v19, v14;
	v44 =	vadd.s32 v5, v43;
	s1 =	simm.s32 $0x3500  }
0x360: {  	[tilespmem:s1], [sflag:$0x1] =	stream.indirect_vreg.gather [hbm4b:s12+s4], $0x80, v41, vm0, $0xb8;
	[tilespmem:$0x1EE80] =	vst v63  }
0x361: {  	v47 =	vperm.xlane v19, v15;
	v46 =	vadd.s32 v5, v45;
	s20 =	simm.s32 $0x3580  }
0x362: {  	[tilespmem:s20], [sflag:$0x1] =	stream.indirect_vreg.gather [hbm4b:s12+s4], $0x80, v20, vm0, $0xb8;
	[tilespmem:$0x1EE80] =	vst v63  }
0x363: {  	v48 =	vperm.xlane v19, v16;
	s1 =	simm.s32 $0x3600;
	v20 =	vadd.s32 v5, v47  }
0x364: {  	[tilespmem:s1], [sflag:$0x1] =	stream.indirect_vreg.gather [hbm4b:s12+s4], $0x80, v44, vm0, $0xb8;
	[tilespmem:$0x1EE80] =	vst v63  }
0x365: {  	v50 =	vperm.xlane v19, v17;
	v49 =	vadd.s32 v5, v48;
	s20 =	simm.s32 $0x3680  }
0x366: {  	[tilespmem:s20], [sflag:$0x1] =	stream.indirect_vreg.gather [hbm4b:s12+s4], $0x80, v46, vm0, $0xb8;
	[tilespmem:$0x1EE80] =	vst v63  }
0x367: {  	v19 =	vperm.xlane v19, v18;
	v51 =	vadd.s32 v5, v50;
	s1 =	simm.s32 $0x3700  }
0x368: {  	[tilespmem:s1], [sflag:$0x1] =	stream.indirect_vreg.gather [hbm4b:s12+s4], $0x80, v20, vm0, $0xb8;
	[tilespmem:$0x1EE80] =	vst v63  }
0x369: {  	v19 =	vadd.s32 v5, v19;
	s20 =	simm.s32 $0x3780  }
0x36a: {  	[tilespmem:s20], [sflag:$0x1] =	stream.indirect_vreg.gather [hbm4b:s12+s4], $0x80, v49, vm0, $0xb8;
	[tilespmem:$0x1EE80] =	vst v63  }
0x36b: {  	s1 =	simm.s32 $0x3800  }
0x36c: {  	[tilespmem:s1], [sflag:$0x1] =	stream.indirect_vreg.gather [hbm4b:s12+s4], $0x80, v51, vm0, $0xb8;
	[tilespmem:$0x1EE80] =	vst v63  }
0x36d: {  	s20 =	simm.s32 $0x3880  }
0x36e: {  	[tilespmem:s20], [sflag:$0x1] =	stream.indirect_vreg.gather [hbm4b:s12+s4], $0x80, v19, vm0, $0xb8;
	[tilespmem:$0x1EE80] =	vst v63  }
0x36f: {  	v19 =	vld [tilespmem:s24+$0x60];
	_ =	sdelay $0x4  }
0x370: {  	v20 =	vshll.u32 v19, $0x1  }
0x371: {  	v19 =	vand.u32 $0x7, v19;
	v20 =	vand.u32 $0xFFFFFFF0, v20  }
0x372: {  	v19 =	vor.u32 v19, v20  }
0x373: {  	v20 =	vperm.xlane v19, v4;
	_ =	sdelay $0x1  }
0x374: {  	v52 =	vperm.xlane v19, v3;
	v20 =	vadd.s32 v5, v20;
	_ =	sdelay $0x1  }
0x375: {  	v53 =	vperm.xlane v19, v6;
	v21 =	vadd.s32 v5, v52;
	_ =	sdelay $0x1  }
0x376: {  	s1 =	simm.s32 $0x3900;
	v54 =	vperm.xlane v19, v7;
	v22 =	vadd.s32 v5, v53  }
0x377: {  	[tilespmem:s1], [sflag:$0x1] =	stream.indirect_vreg.gather [hbm4b:s12+s4], $0x80, v20, vm0, $0xb8;
	[tilespmem:$0x1EE80] =	vst v63  }
0x378: {  	s20 =	simm.s32 $0x3980;
	v55 =	vperm.xlane v19, v8;
	v20 =	vadd.s32 v5, v54  }
0x379: {  	[tilespmem:s20], [sflag:$0x1] =	stream.indirect_vreg.gather [hbm4b:s12+s4], $0x80, v21, vm0, $0xb8;
	[tilespmem:$0x1EE80] =	vst v63  }
0x37a: {  	v57 =	vperm.xlane v19, v9;
	v56 =	vadd.s32 v5, v55;
	s1 =	simm.s32 $0x3A00  }
0x37b: {  	[tilespmem:s1], [sflag:$0x1] =	stream.indirect_vreg.gather [hbm4b:s12+s4], $0x80, v22, vm0, $0xb8;
	[tilespmem:$0x1EE80] =	vst v63  }
0x37c: {  	v59 =	vperm.xlane v19, v10;
	v58 =	vadd.s32 v5, v57;
	s20 =	simm.s32 $0x3A80  }
0x37d: {  	[tilespmem:s20], [sflag:$0x1] =	stream.indirect_vreg.gather [hbm4b:s12+s4], $0x80, v20, vm0, $0xb8;
	[tilespmem:$0x1EE80] =	vst v63  }
0x37e: {  	v60 =	vperm.xlane v19, v2;
	s1 =	simm.s32 $0x3B00;
	v20 =	vadd.s32 v5, v59  }
0x37f: {  	[tilespmem:s1], [sflag:$0x1] =	stream.indirect_vreg.gather [hbm4b:s12+s4], $0x80, v56, vm0, $0xb8;
	[tilespmem:$0x1EE80] =	vst v63  }
0x380: {  	v62 =	vperm.xlane v19, v11;
	v61 =	vadd.s32 v5, v60;
	s20 =	simm.s32 $0x3B80  }
0x381: {  	[tilespmem:s20], [sflag:$0x1] =	stream.indirect_vreg.gather [hbm4b:s12+s4], $0x80, v58, vm0, $0xb8;
	[tilespmem:$0x1EE80] =	vst v63  }
0x382: {  	v24 =	vperm.xlane v19, v12;
	v63 =	vadd.s32 v5, v62;
	s1 =	simm.s32 $0x3C00  }
0x383: {  	[tilespmem:s1], [sflag:$0x1] =	stream.indirect_vreg.gather [hbm4b:s12+s4], $0x80, v20, vm0, $0xb8;
	[tilespmem:$0x1EE80] =	vst v63  }
0x384: {  	v25 =	vperm.xlane v19, v13;
	s20 =	simm.s32 $0x3C80;
	v20 =	vadd.s32 v5, v24  }
0x385: {  	[tilespmem:s20], [sflag:$0x1] =	stream.indirect_vreg.gather [hbm4b:s12+s4], $0x80, v61, vm0, $0xb8;
	[tilespmem:$0x1EE80] =	vst v63  }
0x386: {  	v27 =	vperm.xlane v19, v14;
	v26 =	vadd.s32 v5, v25;
	s1 =	simm.s32 $0x3D00  }
0x387: {  	[tilespmem:s1], [sflag:$0x1] =	stream.indirect_vreg.gather [hbm4b:s12+s4], $0x80, v63, vm0, $0xb8;
	[tilespmem:$0x1EE80] =	vst v63  }
0x388: {  	v29 =	vperm.xlane v19, v15;
	v28 =	vadd.s32 v5, v27;
	s20 =	simm.s32 $0x3D80  }
0x389: {  	[tilespmem:s20], [sflag:$0x1] =	stream.indirect_vreg.gather [hbm4b:s12+s4], $0x80, v20, vm0, $0xb8;
	[tilespmem:$0x1EE80] =	vst v63  }
0x38a: {  	v30 =	vperm.xlane v19, v16;
	s1 =	simm.s32 $0x3E00;
	v20 =	vadd.s32 v5, v29  }
0x38b: {  	[tilespmem:s1], [sflag:$0x1] =	stream.indirect_vreg.gather [hbm4b:s12+s4], $0x80, v26, vm0, $0xb8;
	[tilespmem:$0x1EE80] =	vst v63  }
0x38c: {  	v32 =	vperm.xlane v19, v17;
	v31 =	vadd.s32 v5, v30;
	s20 =	simm.s32 $0x3E80  }
0x38d: {  	[tilespmem:s20], [sflag:$0x1] =	stream.indirect_vreg.gather [hbm4b:s12+s4], $0x80, v28, vm0, $0xb8;
	[tilespmem:$0x1EE80] =	vst v63  }
0x38e: {  	v19 =	vperm.xlane v19, v18;
	v33 =	vadd.s32 v5, v32;
	s1 =	simm.s32 $0x3F00  }
0x38f: {  	[tilespmem:s1], [sflag:$0x1] =	stream.indirect_vreg.gather [hbm4b:s12+s4], $0x80, v20, vm0, $0xb8;
	[tilespmem:$0x1EE80] =	vst v63  }
0x390: {  	v19 =	vadd.s32 v5, v19;
	s20 =	simm.s32 $0x3F80  }
0x391: {  	[tilespmem:s20], [sflag:$0x1] =	stream.indirect_vreg.gather [hbm4b:s12+s4], $0x80, v31, vm0, $0xb8;
	[tilespmem:$0x1EE80] =	vst v63  }
0x392: {  	s1 =	simm.s32 $0x4000  }
0x393: {  	[tilespmem:s1], [sflag:$0x1] =	stream.indirect_vreg.gather [hbm4b:s12+s4], $0x80, v33, vm0, $0xb8;
	[tilespmem:$0x1EE80] =	vst v63  }
0x394: {  	s20 =	simm.s32 $0x4080  }
0x395: {  	[tilespmem:s20], [sflag:$0x1] =	stream.indirect_vreg.gather [hbm4b:s12+s4], $0x80, v19, vm0, $0xb8;
	[tilespmem:$0x1EE80] =	vst v63  }
0x396: {  	v19 =	vld [tilespmem:s24+$0x70];
	_ =	sdelay $0x4  }
0x397: {  	v20 =	vshll.u32 v19, $0x1  }
0x398: {  	v19 =	vand.u32 $0x7, v19;
	v20 =	vand.u32 $0xFFFFFFF0, v20  }
0x399: {  	v19 =	vor.u32 v19, v20  }
0x39a: {  	v20 =	vperm.xlane v19, v4;
	_ =	sdelay $0x1  }
0x39b: {  	v34 =	vperm.xlane v19, v3;
	v20 =	vadd.s32 v5, v20;
	_ =	sdelay $0x1  }
0x39c: {  	v35 =	vperm.xlane v19, v6;
	v21 =	vadd.s32 v5, v34;
	_ =	sdelay $0x1  }
0x39d: {  	s1 =	simm.s32 $0x4100;
	v36 =	vperm.xlane v19, v7;
	v22 =	vadd.s32 v5, v35  }
0x39e: {  	[tilespmem:s1], [sflag:$0x1] =	stream.indirect_vreg.gather [hbm4b:s12+s4], $0x80, v20, vm0, $0xb8;
	[tilespmem:$0x1EE80] =	vst v63  }
0x39f: {  	s20 =	simm.s32 $0x4180;
	v37 =	vperm.xlane v19, v8;
	v20 =	vadd.s32 v5, v36  }
0x3a0: {  	[tilespmem:s20], [sflag:$0x1] =	stream.indirect_vreg.gather [hbm4b:s12+s4], $0x80, v21, vm0, $0xb8;
	[tilespmem:$0x1EE80] =	vst v63  }
0x3a1: {  	v39 =	vperm.xlane v19, v9;
	v38 =	vadd.s32 v5, v37;
	s1 =	simm.s32 $0x4200  }
0x3a2: {  	[tilespmem:s1], [sflag:$0x1] =	stream.indirect_vreg.gather [hbm4b:s12+s4], $0x80, v22, vm0, $0xb8;
	[tilespmem:$0x1EE80] =	vst v63  }
0x3a3: {  	v41 =	vperm.xlane v19, v10;
	v40 =	vadd.s32 v5, v39;
	s20 =	simm.s32 $0x4280  }
0x3a4: {  	[tilespmem:s20], [sflag:$0x1] =	stream.indirect_vreg.gather [hbm4b:s12+s4], $0x80, v20, vm0, $0xb8;
	[tilespmem:$0x1EE80] =	vst v63  }
0x3a5: {  	v42 =	vperm.xlane v19, v2;
	s1 =	simm.s32 $0x4300;
	v20 =	vadd.s32 v5, v41  }
0x3a6: {  	[tilespmem:s1], [sflag:$0x1] =	stream.indirect_vreg.gather [hbm4b:s12+s4], $0x80, v38, vm0, $0xb8;
	[tilespmem:$0x1EE80] =	vst v63  }
0x3a7: {  	v44 =	vperm.xlane v19, v11;
	v43 =	vadd.s32 v5, v42;
	s20 =	simm.s32 $0x4380  }
0x3a8: {  	[tilespmem:s20], [sflag:$0x1] =	stream.indirect_vreg.gather [hbm4b:s12+s4], $0x80, v40, vm0, $0xb8;
	[tilespmem:$0x1EE80] =	vst v63  }
0x3a9: {  	v46 =	vperm.xlane v19, v12;
	v45 =	vadd.s32 v5, v44;
	s1 =	simm.s32 $0x4400  }
0x3aa: {  	[tilespmem:s1], [sflag:$0x1] =	stream.indirect_vreg.gather [hbm4b:s12+s4], $0x80, v20, vm0, $0xb8;
	[tilespmem:$0x1EE80] =	vst v63  }
0x3ab: {  	v47 =	vperm.xlane v19, v13;
	s20 =	simm.s32 $0x4480;
	v20 =	vadd.s32 v5, v46  }
0x3ac: {  	[tilespmem:s20], [sflag:$0x1] =	stream.indirect_vreg.gather [hbm4b:s12+s4], $0x80, v43, vm0, $0xb8;
	[tilespmem:$0x1EE80] =	vst v63  }
0x3ad: {  	v49 =	vperm.xlane v19, v14;
	v48 =	vadd.s32 v5, v47;
	s1 =	simm.s32 $0x4500  }
0x3ae: {  	[tilespmem:s1], [sflag:$0x1] =	stream.indirect_vreg.gather [hbm4b:s12+s4], $0x80, v45, vm0, $0xb8;
	[tilespmem:$0x1EE80] =	vst v63  }
0x3af: {  	v51 =	vperm.xlane v19, v15;
	v50 =	vadd.s32 v5, v49;
	s20 =	simm.s32 $0x4580  }
0x3b0: {  	[tilespmem:s20], [sflag:$0x1] =	stream.indirect_vreg.gather [hbm4b:s12+s4], $0x80, v20, vm0, $0xb8;
	[tilespmem:$0x1EE80] =	vst v63  }
0x3b1: {  	v52 =	vperm.xlane v19, v16;
	s1 =	simm.s32 $0x4600;
	v20 =	vadd.s32 v5, v51  }
0x3b2: {  	[tilespmem:s1], [sflag:$0x1] =	stream.indirect_vreg.gather [hbm4b:s12+s4], $0x80, v48, vm0, $0xb8;
	[tilespmem:$0x1EE80] =	vst v63  }
0x3b3: {  	v54 =	vperm.xlane v19, v17;
	v53 =	vadd.s32 v5, v52;
	s20 =	simm.s32 $0x4680  }
0x3b4: {  	[tilespmem:s20], [sflag:$0x1] =	stream.indirect_vreg.gather [hbm4b:s12+s4], $0x80, v50, vm0, $0xb8;
	[tilespmem:$0x1EE80] =	vst v63  }
0x3b5: {  	v19 =	vperm.xlane v19, v18;
	v55 =	vadd.s32 v5, v54;
	s1 =	simm.s32 $0x4700  }
0x3b6: {  	[tilespmem:s1], [sflag:$0x1] =	stream.indirect_vreg.gather [hbm4b:s12+s4], $0x80, v20, vm0, $0xb8;
	[tilespmem:$0x1EE80] =	vst v63  }
0x3b7: {  	v19 =	vadd.s32 v5, v19;
	s20 =	simm.s32 $0x4780  }
0x3b8: {  	[tilespmem:s20], [sflag:$0x1] =	stream.indirect_vreg.gather [hbm4b:s12+s4], $0x80, v53, vm0, $0xb8;
	[tilespmem:$0x1EE80] =	vst v63  }
0x3b9: {  	s1 =	simm.s32 $0x4800  }
0x3ba: {  	[tilespmem:s1], [sflag:$0x1] =	stream.indirect_vreg.gather [hbm4b:s12+s4], $0x80, v55, vm0, $0xb8;
	[tilespmem:$0x1EE80] =	vst v63  }
0x3bb: {  	s20 =	simm.s32 $0x4880  }
0x3bc: {  	[tilespmem:s20], [sflag:$0x1] =	stream.indirect_vreg.gather [hbm4b:s12+s4], $0x80, v19, vm0, $0xb8;
	[tilespmem:$0x1EE80] =	vst v63  }
0x3bd: {  	v19 =	vld [tilespmem:s24+$0x80];
	_ =	sdelay $0x4  }
0x3be: {  	v20 =	vshll.u32 v19, $0x1  }
0x3bf: {  	v19 =	vand.u32 $0x7, v19;
	v20 =	vand.u32 $0xFFFFFFF0, v20  }
0x3c0: {  	v19 =	vor.u32 v19, v20  }
0x3c1: {  	v20 =	vperm.xlane v19, v4;
	_ =	sdelay $0x1  }
0x3c2: {  	v56 =	vperm.xlane v19, v3;
	v20 =	vadd.s32 v5, v20;
	_ =	sdelay $0x1  }
0x3c3: {  	v57 =	vperm.xlane v19, v6;
	v21 =	vadd.s32 v5, v56;
	_ =	sdelay $0x1  }
0x3c4: {  	s1 =	simm.s32 $0x4900;
	v58 =	vperm.xlane v19, v7;
	v22 =	vadd.s32 v5, v57  }
0x3c5: {  	[tilespmem:s1], [sflag:$0x1] =	stream.indirect_vreg.gather [hbm4b:s12+s4], $0x80, v20, vm0, $0xb8;
	[tilespmem:$0x1EE80] =	vst v63  }
0x3c6: {  	s20 =	simm.s32 $0x4980;
	v59 =	vperm.xlane v19, v8;
	v20 =	vadd.s32 v5, v58  }
0x3c7: {  	[tilespmem:s20], [sflag:$0x1] =	stream.indirect_vreg.gather [hbm4b:s12+s4], $0x80, v21, vm0, $0xb8;
	[tilespmem:$0x1EE80] =	vst v63  }
0x3c8: {  	v61 =	vperm.xlane v19, v9;
	v60 =	vadd.s32 v5, v59;
	s1 =	simm.s32 $0x4A00  }
0x3c9: {  	[tilespmem:s1], [sflag:$0x1] =	stream.indirect_vreg.gather [hbm4b:s12+s4], $0x80, v22, vm0, $0xb8;
	[tilespmem:$0x1EE80] =	vst v63  }
0x3ca: {  	v63 =	vperm.xlane v19, v10;
	v62 =	vadd.s32 v5, v61;
	s20 =	simm.s32 $0x4A80  }
0x3cb: {  	[tilespmem:s20], [sflag:$0x1] =	stream.indirect_vreg.gather [hbm4b:s12+s4], $0x80, v20, vm0, $0xb8;
	[tilespmem:$0x1EE80] =	vst v63  }
0x3cc: {  	v24 =	vperm.xlane v19, v2;
	s1 =	simm.s32 $0x4B00;
	v20 =	vadd.s32 v5, v63  }
0x3cd: {  	[tilespmem:s1], [sflag:$0x1] =	stream.indirect_vreg.gather [hbm4b:s12+s4], $0x80, v60, vm0, $0xb8;
	[tilespmem:$0x1EE80] =	vst v63  }
0x3ce: {  	v26 =	vperm.xlane v19, v11;
	v25 =	vadd.s32 v5, v24;
	s20 =	simm.s32 $0x4B80  }
0x3cf: {  	[tilespmem:s20], [sflag:$0x1] =	stream.indirect_vreg.gather [hbm4b:s12+s4], $0x80, v62, vm0, $0xb8;
	[tilespmem:$0x1EE80] =	vst v63  }
0x3d0: {  	v28 =	vperm.xlane v19, v12;
	v27 =	vadd.s32 v5, v26;
	s1 =	simm.s32 $0x4C00  }
0x3d1: {  	[tilespmem:s1], [sflag:$0x1] =	stream.indirect_vreg.gather [hbm4b:s12+s4], $0x80, v20, vm0, $0xb8;
	[tilespmem:$0x1EE80] =	vst v63  }
0x3d2: {  	v29 =	vperm.xlane v19, v13;
	s20 =	simm.s32 $0x4C80;
	v20 =	vadd.s32 v5, v28  }
0x3d3: {  	[tilespmem:s20], [sflag:$0x1] =	stream.indirect_vreg.gather [hbm4b:s12+s4], $0x80, v25, vm0, $0xb8;
	[tilespmem:$0x1EE80] =	vst v63  }
0x3d4: {  	v31 =	vperm.xlane v19, v14;
	v30 =	vadd.s32 v5, v29;
	s1 =	simm.s32 $0x4D00  }
0x3d5: {  	[tilespmem:s1], [sflag:$0x1] =	stream.indirect_vreg.gather [hbm4b:s12+s4], $0x80, v27, vm0, $0xb8;
	[tilespmem:$0x1EE80] =	vst v63  }
0x3d6: {  	v33 =	vperm.xlane v19, v15;
	v32 =	vadd.s32 v5, v31;
	s20 =	simm.s32 $0x4D80  }
0x3d7: {  	[tilespmem:s20], [sflag:$0x1] =	stream.indirect_vreg.gather [hbm4b:s12+s4], $0x80, v20, vm0, $0xb8;
	[tilespmem:$0x1EE80] =	vst v63  }
0x3d8: {  	v34 =	vperm.xlane v19, v16;
	s1 =	simm.s32 $0x4E00;
	v20 =	vadd.s32 v5, v33  }
0x3d9: {  	[tilespmem:s1], [sflag:$0x1] =	stream.indirect_vreg.gather [hbm4b:s12+s4], $0x80, v30, vm0, $0xb8;
	[tilespmem:$0x1EE80] =	vst v63  }
0x3da: {  	v36 =	vperm.xlane v19, v17;
	v35 =	vadd.s32 v5, v34;
	s20 =	simm.s32 $0x4E80  }
0x3db: {  	[tilespmem:s20], [sflag:$0x1] =	stream.indirect_vreg.gather [hbm4b:s12+s4], $0x80, v32, vm0, $0xb8;
	[tilespmem:$0x1EE80] =	vst v63  }
0x3dc: {  	v19 =	vperm.xlane v19, v18;
	v37 =	vadd.s32 v5, v36;
	s1 =	simm.s32 $0x4F00  }
0x3dd: {  	[tilespmem:s1], [sflag:$0x1] =	stream.indirect_vreg.gather [hbm4b:s12+s4], $0x80, v20, vm0, $0xb8;
	[tilespmem:$0x1EE80] =	vst v63  }
0x3de: {  	v19 =	vadd.s32 v5, v19;
	s20 =	simm.s32 $0x4F80  }
0x3df: {  	[tilespmem:s20], [sflag:$0x1] =	stream.indirect_vreg.gather [hbm4b:s12+s4], $0x80, v35, vm0, $0xb8;
	[tilespmem:$0x1EE80] =	vst v63  }
0x3e0: {  	s1 =	simm.s32 $0x5000  }
0x3e1: {  	[tilespmem:s1], [sflag:$0x1] =	stream.indirect_vreg.gather [hbm4b:s12+s4], $0x80, v37, vm0, $0xb8;
	[tilespmem:$0x1EE80] =	vst v63  }
0x3e2: {  	s20 =	simm.s32 $0x5080  }
0x3e3: {  	[tilespmem:s20], [sflag:$0x1] =	stream.indirect_vreg.gather [hbm4b:s12+s4], $0x80, v19, vm0, $0xb8;
	[tilespmem:$0x1EE80] =	vst v63  }
0x3e4: {  	v19 =	vld [tilespmem:s24+$0x90];
	_ =	sdelay $0x4  }
0x3e5: {  	v20 =	vshll.u32 v19, $0x1  }
0x3e6: {  	v19 =	vand.u32 $0x7, v19;
	v20 =	vand.u32 $0xFFFFFFF0, v20  }
0x3e7: {  	v19 =	vor.u32 v19, v20  }
0x3e8: {  	v20 =	vperm.xlane v19, v4;
	_ =	sdelay $0x1  }
0x3e9: {  	v38 =	vperm.xlane v19, v3;
	v20 =	vadd.s32 v5, v20;
	_ =	sdelay $0x1  }
0x3ea: {  	v39 =	vperm.xlane v19, v6;
	v21 =	vadd.s32 v5, v38;
	_ =	sdelay $0x1  }
0x3eb: {  	s1 =	simm.s32 $0x5100;
	v40 =	vperm.xlane v19, v7;
	v22 =	vadd.s32 v5, v39  }
0x3ec: {  	[tilespmem:s1], [sflag:$0x1] =	stream.indirect_vreg.gather [hbm4b:s12+s4], $0x80, v20, vm0, $0xb8;
	[tilespmem:$0x1EE80] =	vst v63  }
0x3ed: {  	s20 =	simm.s32 $0x5180;
	v41 =	vperm.xlane v19, v8;
	v20 =	vadd.s32 v5, v40  }
0x3ee: {  	[tilespmem:s20], [sflag:$0x1] =	stream.indirect_vreg.gather [hbm4b:s12+s4], $0x80, v21, vm0, $0xb8;
	[tilespmem:$0x1EE80] =	vst v63  }
0x3ef: {  	v43 =	vperm.xlane v19, v9;
	v42 =	vadd.s32 v5, v41;
	s1 =	simm.s32 $0x5200  }
0x3f0: {  	[tilespmem:s1], [sflag:$0x1] =	stream.indirect_vreg.gather [hbm4b:s12+s4], $0x80, v22, vm0, $0xb8;
	[tilespmem:$0x1EE80] =	vst v63  }
0x3f1: {  	v45 =	vperm.xlane v19, v10;
	v44 =	vadd.s32 v5, v43;
	s20 =	simm.s32 $0x5280  }
0x3f2: {  	[tilespmem:s20], [sflag:$0x1] =	stream.indirect_vreg.gather [hbm4b:s12+s4], $0x80, v20, vm0, $0xb8;
	[tilespmem:$0x1EE80] =	vst v63  }
0x3f3: {  	v46 =	vperm.xlane v19, v2;
	s1 =	simm.s32 $0x5300;
	v20 =	vadd.s32 v5, v45  }
0x3f4: {  	[tilespmem:s1], [sflag:$0x1] =	stream.indirect_vreg.gather [hbm4b:s12+s4], $0x80, v42, vm0, $0xb8;
	[tilespmem:$0x1EE80] =	vst v63  }
0x3f5: {  	v48 =	vperm.xlane v19, v11;
	v47 =	vadd.s32 v5, v46;
	s20 =	simm.s32 $0x5380  }
0x3f6: {  	[tilespmem:s20], [sflag:$0x1] =	stream.indirect_vreg.gather [hbm4b:s12+s4], $0x80, v44, vm0, $0xb8;
	[tilespmem:$0x1EE80] =	vst v63  }
0x3f7: {  	v50 =	vperm.xlane v19, v12;
	v49 =	vadd.s32 v5, v48;
	s1 =	simm.s32 $0x5400  }
0x3f8: {  	[tilespmem:s1], [sflag:$0x1] =	stream.indirect_vreg.gather [hbm4b:s12+s4], $0x80, v20, vm0, $0xb8;
	[tilespmem:$0x1EE80] =	vst v63  }
0x3f9: {  	v51 =	vperm.xlane v19, v13;
	s20 =	simm.s32 $0x5480;
	v20 =	vadd.s32 v5, v50  }
0x3fa: {  	[tilespmem:s20], [sflag:$0x1] =	stream.indirect_vreg.gather [hbm4b:s12+s4], $0x80, v47, vm0, $0xb8;
	[tilespmem:$0x1EE80] =	vst v63  }
0x3fb: {  	v53 =	vperm.xlane v19, v14;
	v52 =	vadd.s32 v5, v51;
	s1 =	simm.s32 $0x5500  }
0x3fc: {  	[tilespmem:s1], [sflag:$0x1] =	stream.indirect_vreg.gather [hbm4b:s12+s4], $0x80, v49, vm0, $0xb8;
	[tilespmem:$0x1EE80] =	vst v63  }
0x3fd: {  	v55 =	vperm.xlane v19, v15;
	v54 =	vadd.s32 v5, v53;
	s20 =	simm.s32 $0x5580  }
0x3fe: {  	[tilespmem:s20], [sflag:$0x1] =	stream.indirect_vreg.gather [hbm4b:s12+s4], $0x80, v20, vm0, $0xb8;
	[tilespmem:$0x1EE80] =	vst v63  }
0x3ff: {  	v56 =	vperm.xlane v19, v16;
	s1 =	simm.s32 $0x5600;
	v20 =	vadd.s32 v5, v55  }
0x400: {  	[tilespmem:s1], [sflag:$0x1] =	stream.indirect_vreg.gather [hbm4b:s12+s4], $0x80, v52, vm0, $0xb8;
	[tilespmem:$0x1EE80] =	vst v63  }
0x401: {  	v58 =	vperm.xlane v19, v17;
	v57 =	vadd.s32 v5, v56;
	s20 =	simm.s32 $0x5680  }
0x402: {  	[tilespmem:s20], [sflag:$0x1] =	stream.indirect_vreg.gather [hbm4b:s12+s4], $0x80, v54, vm0, $0xb8;
	[tilespmem:$0x1EE80] =	vst v63  }
0x403: {  	v19 =	vperm.xlane v19, v18;
	v59 =	vadd.s32 v5, v58;
	s1 =	simm.s32 $0x5700  }
0x404: {  	[tilespmem:s1], [sflag:$0x1] =	stream.indirect_vreg.gather [hbm4b:s12+s4], $0x80, v20, vm0, $0xb8;
	[tilespmem:$0x1EE80] =	vst v63  }
0x405: {  	v19 =	vadd.s32 v5, v19;
	s20 =	simm.s32 $0x5780  }
0x406: {  	[tilespmem:s20], [sflag:$0x1] =	stream.indirect_vreg.gather [hbm4b:s12+s4], $0x80, v57, vm0, $0xb8;
	[tilespmem:$0x1EE80] =	vst v63  }
0x407: {  	s1 =	simm.s32 $0x5800  }
0x408: {  	[tilespmem:s1], [sflag:$0x1] =	stream.indirect_vreg.gather [hbm4b:s12+s4], $0x80, v59, vm0, $0xb8;
	[tilespmem:$0x1EE80] =	vst v63  }
0x409: {  	s20 =	simm.s32 $0x5880  }
0x40a: {  	[tilespmem:s20], [sflag:$0x1] =	stream.indirect_vreg.gather [hbm4b:s12+s4], $0x80, v19, vm0, $0xb8;
	[tilespmem:$0x1EE80] =	vst v63  }
0x40b: {  	v19 =	vld [tilespmem:s24+$0xA0];
	_ =	sdelay $0x4  }
0x40c: {  	v20 =	vshll.u32 v19, $0x1  }
0x40d: {  	v19 =	vand.u32 $0x7, v19;
	v20 =	vand.u32 $0xFFFFFFF0, v20  }
0x40e: {  	v19 =	vor.u32 v19, v20  }
0x40f: {  	v20 =	vperm.xlane v19, v4;
	_ =	sdelay $0x1  }
0x410: {  	v60 =	vperm.xlane v19, v3;
	v20 =	vadd.s32 v5, v20;
	_ =	sdelay $0x1  }
0x411: {  	v61 =	vperm.xlane v19, v6;
	v21 =	vadd.s32 v5, v60;
	_ =	sdelay $0x1  }
0x412: {  	s1 =	simm.s32 $0x5900;
	v62 =	vperm.xlane v19, v7;
	v22 =	vadd.s32 v5, v61  }
0x413: {  	[tilespmem:s1], [sflag:$0x1] =	stream.indirect_vreg.gather [hbm4b:s12+s4], $0x80, v20, vm0, $0xb8;
	[tilespmem:$0x1EE80] =	vst v63  }
0x414: {  	s20 =	simm.s32 $0x5980;
	v63 =	vperm.xlane v19, v8;
	v20 =	vadd.s32 v5, v62  }
0x415: {  	[tilespmem:s20], [sflag:$0x1] =	stream.indirect_vreg.gather [hbm4b:s12+s4], $0x80, v21, vm0, $0xb8;
	[tilespmem:$0x1EE80] =	vst v63  }
0x416: {  	v25 =	vperm.xlane v19, v9;
	v24 =	vadd.s32 v5, v63;
	s1 =	simm.s32 $0x5A00  }
0x417: {  	[tilespmem:s1], [sflag:$0x1] =	stream.indirect_vreg.gather [hbm4b:s12+s4], $0x80, v22, vm0, $0xb8;
	[tilespmem:$0x1EE80] =	vst v63  }
0x418: {  	v27 =	vperm.xlane v19, v10;
	v26 =	vadd.s32 v5, v25;
	s20 =	simm.s32 $0x5A80  }
0x419: {  	[tilespmem:s20], [sflag:$0x1] =	stream.indirect_vreg.gather [hbm4b:s12+s4], $0x80, v20, vm0, $0xb8;
	[tilespmem:$0x1EE80] =	vst v63  }
0x41a: {  	v28 =	vperm.xlane v19, v2;
	s1 =	simm.s32 $0x5B00;
	v20 =	vadd.s32 v5, v27  }
0x41b: {  	[tilespmem:s1], [sflag:$0x1] =	stream.indirect_vreg.gather [hbm4b:s12+s4], $0x80, v24, vm0, $0xb8;
	[tilespmem:$0x1EE80] =	vst v63  }
0x41c: {  	v30 =	vperm.xlane v19, v11;
	v29 =	vadd.s32 v5, v28;
	s20 =	simm.s32 $0x5B80  }
0x41d: {  	[tilespmem:s20], [sflag:$0x1] =	stream.indirect_vreg.gather [hbm4b:s12+s4], $0x80, v26, vm0, $0xb8;
	[tilespmem:$0x1EE80] =	vst v63  }
0x41e: {  	v32 =	vperm.xlane v19, v12;
	v31 =	vadd.s32 v5, v30;
	s1 =	simm.s32 $0x5C00  }
0x41f: {  	[tilespmem:s1], [sflag:$0x1] =	stream.indirect_vreg.gather [hbm4b:s12+s4], $0x80, v20, vm0, $0xb8;
	[tilespmem:$0x1EE80] =	vst v63  }
0x420: {  	v33 =	vperm.xlane v19, v13;
	s20 =	simm.s32 $0x5C80;
	v20 =	vadd.s32 v5, v32  }
0x421: {  	[tilespmem:s20], [sflag:$0x1] =	stream.indirect_vreg.gather [hbm4b:s12+s4], $0x80, v29, vm0, $0xb8;
	[tilespmem:$0x1EE80] =	vst v63  }
0x422: {  	v35 =	vperm.xlane v19, v14;
	v34 =	vadd.s32 v5, v33;
	s1 =	simm.s32 $0x5D00  }
0x423: {  	[tilespmem:s1], [sflag:$0x1] =	stream.indirect_vreg.gather [hbm4b:s12+s4], $0x80, v31, vm0, $0xb8;
	[tilespmem:$0x1EE80] =	vst v63  }
0x424: {  	v37 =	vperm.xlane v19, v15;
	v36 =	vadd.s32 v5, v35;
	s20 =	simm.s32 $0x5D80  }
0x425: {  	[tilespmem:s20], [sflag:$0x1] =	stream.indirect_vreg.gather [hbm4b:s12+s4], $0x80, v20, vm0, $0xb8;
	[tilespmem:$0x1EE80] =	vst v63  }
0x426: {  	v38 =	vperm.xlane v19, v16;
	s1 =	simm.s32 $0x5E00;
	v20 =	vadd.s32 v5, v37  }
0x427: {  	[tilespmem:s1], [sflag:$0x1] =	stream.indirect_vreg.gather [hbm4b:s12+s4], $0x80, v34, vm0, $0xb8;
	[tilespmem:$0x1EE80] =	vst v63  }
0x428: {  	v40 =	vperm.xlane v19, v17;
	v39 =	vadd.s32 v5, v38;
	s20 =	simm.s32 $0x5E80  }
0x429: {  	[tilespmem:s20], [sflag:$0x1] =	stream.indirect_vreg.gather [hbm4b:s12+s4], $0x80, v36, vm0, $0xb8;
	[tilespmem:$0x1EE80] =	vst v63  }
0x42a: {  	v19 =	vperm.xlane v19, v18;
	v41 =	vadd.s32 v5, v40;
	s1 =	simm.s32 $0x5F00  }
0x42b: {  	[tilespmem:s1], [sflag:$0x1] =	stream.indirect_vreg.gather [hbm4b:s12+s4], $0x80, v20, vm0, $0xb8;
	[tilespmem:$0x1EE80] =	vst v63  }
0x42c: {  	v19 =	vadd.s32 v5, v19;
	s20 =	simm.s32 $0x5F80  }
0x42d: {  	[tilespmem:s20], [sflag:$0x1] =	stream.indirect_vreg.gather [hbm4b:s12+s4], $0x80, v39, vm0, $0xb8;
	[tilespmem:$0x1EE80] =	vst v63  }
0x42e: {  	s1 =	simm.s32 $0x6000  }
0x42f: {  	[tilespmem:s1], [sflag:$0x1] =	stream.indirect_vreg.gather [hbm4b:s12+s4], $0x80, v41, vm0, $0xb8;
	[tilespmem:$0x1EE80] =	vst v63  }
0x430: {  	s20 =	simm.s32 $0x6080  }
0x431: {  	[tilespmem:s20], [sflag:$0x1] =	stream.indirect_vreg.gather [hbm4b:s12+s4], $0x80, v19, vm0, $0xb8;
	[tilespmem:$0x1EE80] =	vst v63  }
0x432: {  	v19 =	vld [tilespmem:s24+$0xB0];
	_ =	sdelay $0x4  }
0x433: {  	v20 =	vshll.u32 v19, $0x1  }
0x434: {  	v19 =	vand.u32 $0x7, v19;
	v20 =	vand.u32 $0xFFFFFFF0, v20  }
0x435: {  	v19 =	vor.u32 v19, v20  }
0x436: {  	v20 =	vperm.xlane v19, v4;
	_ =	sdelay $0x1  }
0x437: {  	v42 =	vperm.xlane v19, v3;
	v20 =	vadd.s32 v5, v20;
	_ =	sdelay $0x1  }
0x438: {  	v43 =	vperm.xlane v19, v6;
	v21 =	vadd.s32 v5, v42;
	_ =	sdelay $0x1  }
0x439: {  	s1 =	simm.s32 $0x6100;
	v44 =	vperm.xlane v19, v7;
	v22 =	vadd.s32 v5, v43  }
0x43a: {  	[tilespmem:s1], [sflag:$0x1] =	stream.indirect_vreg.gather [hbm4b:s12+s4], $0x80, v20, vm0, $0xb8;
	[tilespmem:$0x1EE80] =	vst v63  }
0x43b: {  	s20 =	simm.s32 $0x6180;
	v45 =	vperm.xlane v19, v8;
	v20 =	vadd.s32 v5, v44  }
0x43c: {  	[tilespmem:s20], [sflag:$0x1] =	stream.indirect_vreg.gather [hbm4b:s12+s4], $0x80, v21, vm0, $0xb8;
	[tilespmem:$0x1EE80] =	vst v63  }
0x43d: {  	v47 =	vperm.xlane v19, v9;
	v46 =	vadd.s32 v5, v45;
	s1 =	simm.s32 $0x6200  }
0x43e: {  	[tilespmem:s1], [sflag:$0x1] =	stream.indirect_vreg.gather [hbm4b:s12+s4], $0x80, v22, vm0, $0xb8;
	[tilespmem:$0x1EE80] =	vst v63  }
0x43f: {  	v49 =	vperm.xlane v19, v10;
	v48 =	vadd.s32 v5, v47;
	s20 =	simm.s32 $0x6280  }
0x440: {  	[tilespmem:s20], [sflag:$0x1] =	stream.indirect_vreg.gather [hbm4b:s12+s4], $0x80, v20, vm0, $0xb8;
	[tilespmem:$0x1EE80] =	vst v63  }
0x441: {  	v50 =	vperm.xlane v19, v2;
	s1 =	simm.s32 $0x6300;
	v20 =	vadd.s32 v5, v49  }
0x442: {  	[tilespmem:s1], [sflag:$0x1] =	stream.indirect_vreg.gather [hbm4b:s12+s4], $0x80, v46, vm0, $0xb8;
	[tilespmem:$0x1EE80] =	vst v63  }
0x443: {  	v52 =	vperm.xlane v19, v11;
	v51 =	vadd.s32 v5, v50;
	s20 =	simm.s32 $0x6380  }
0x444: {  	[tilespmem:s20], [sflag:$0x1] =	stream.indirect_vreg.gather [hbm4b:s12+s4], $0x80, v48, vm0, $0xb8;
	[tilespmem:$0x1EE80] =	vst v63  }
0x445: {  	v54 =	vperm.xlane v19, v12;
	v53 =	vadd.s32 v5, v52;
	s1 =	simm.s32 $0x6400  }
0x446: {  	[tilespmem:s1], [sflag:$0x1] =	stream.indirect_vreg.gather [hbm4b:s12+s4], $0x80, v20, vm0, $0xb8;
	[tilespmem:$0x1EE80] =	vst v63  }
0x447: {  	v55 =	vperm.xlane v19, v13;
	s20 =	simm.s32 $0x6480;
	v20 =	vadd.s32 v5, v54  }
0x448: {  	[tilespmem:s20], [sflag:$0x1] =	stream.indirect_vreg.gather [hbm4b:s12+s4], $0x80, v51, vm0, $0xb8;
	[tilespmem:$0x1EE80] =	vst v63  }
0x449: {  	v57 =	vperm.xlane v19, v14;
	v56 =	vadd.s32 v5, v55;
	s1 =	simm.s32 $0x6500  }
0x44a: {  	[tilespmem:s1], [sflag:$0x1] =	stream.indirect_vreg.gather [hbm4b:s12+s4], $0x80, v53, vm0, $0xb8;
	[tilespmem:$0x1EE80] =	vst v63  }
0x44b: {  	v59 =	vperm.xlane v19, v15;
	v58 =	vadd.s32 v5, v57;
	s20 =	simm.s32 $0x6580  }
0x44c: {  	[tilespmem:s20], [sflag:$0x1] =	stream.indirect_vreg.gather [hbm4b:s12+s4], $0x80, v20, vm0, $0xb8;
	[tilespmem:$0x1EE80] =	vst v63  }
0x44d: {  	v60 =	vperm.xlane v19, v16;
	s1 =	simm.s32 $0x6600;
	v20 =	vadd.s32 v5, v59  }
0x44e: {  	[tilespmem:s1], [sflag:$0x1] =	stream.indirect_vreg.gather [hbm4b:s12+s4], $0x80, v56, vm0, $0xb8;
	[tilespmem:$0x1EE80] =	vst v63  }
0x44f: {  	v62 =	vperm.xlane v19, v17;
	v61 =	vadd.s32 v5, v60;
	s20 =	simm.s32 $0x6680  }
0x450: {  	[tilespmem:s20], [sflag:$0x1] =	stream.indirect_vreg.gather [hbm4b:s12+s4], $0x80, v58, vm0, $0xb8;
	[tilespmem:$0x1EE80] =	vst v63  }
0x451: {  	v63 =	vadd.s32 v5, v62;
	s1 =	simm.s32 $0x6700  }
0x452: {  	v19 =	vperm.xlane v19, v18;
	[tilespmem:s1], [sflag:$0x1] =	stream.indirect_vreg.gather [hbm4b:s12+s4], $0x80, v20, vm0, $0xb8;
	[tilespmem:$0x1EE80] =	vst v63  }
0x453: {  	s20 =	simm.s32 $0x6780  }
0x454: {  	v19 =	vadd.s32 v5, v19;
	[tilespmem:s20], [sflag:$0x1] =	stream.indirect_vreg.gather [hbm4b:s12+s4], $0x80, v61, vm0, $0xb8;
	[tilespmem:$0x1EE80] =	vst v63  }
0x455: {  	s1 =	simm.s32 $0x6800  }
0x456: {  	[tilespmem:s1], [sflag:$0x1] =	stream.indirect_vreg.gather [hbm4b:s12+s4], $0x80, v63, vm0, $0xb8;
	[tilespmem:$0x1EE80] =	vst v63  }
.Ltmp6:
0x457: {  	_ = 	snop;
	(pc) =	sbr.rel .LBB2_6-.Ltmp6, $4  }
0x458: {  	s20 =	simm.s32 $0x6880  }
0x459: {  	[tilespmem:s20], [sflag:$0x1] =	stream.indirect_vreg.gather [hbm4b:s12+s4], $0x80, v19, vm0, $0xb8;
	[tilespmem:$0x1EE80] =	vst v63  }
0x45a: {  	s31 =	sadd.s32 $0x20, s31  }
0x45b: {  	[tilespmem:s29], [sflag:$0x1] =	stream.linear.gather [hbm4b:s31+s4], $0x80, $0x38;
	[tilespmem:$0x1EE80] =	vst v63  }
.LBB2_8:
0x45c: {  	_ =	sfence.sel $0x180000  }
0x45d: {  	[bflag:$0x0] =	sbarrier.arrive $0xFFFF  }
0x45e: {  	_ =	strace $0x90000047  }
0x45f: {  	s0 =	stileid.u32;
	[bflag:$0x2] =	sbarrier.arrive $0xFFFF  }
0x460: {  	p0 =	sne.s32 s0, $0x0;
	s0 =	rddreg [dreg:$0x5]  }
0x461: {  	s0 =	sadd.s32 @!p0 $0x100000, s0  }
0x462: {  	[sflag:s0] =	ssyncadd.tile.s32 @!p0 $0x1;
	_ =	shalt  }
.Lfunc_end2:
_tile_overlayer_lowered:
.L_overlay_start_2:
0x463: {  	(tag) =	ssettag $0x2  }
0x464: {  	s0 =	rddreg [dreg:$0x0];
	s2 =	stileid.u32  }
0x465: {  	s1 =	rddreg [dreg:$0x1];
	p0 =	sne.s32 s2, $0x0  }
0x466: {  	s3 =	rddreg [dreg:$0x2];
	[bflag:$0x3] =	sbarrier.arrive $0xFFFF;
	s2 =	simm.s32 @!p0 $0x1C03  }
0x467: {  	[timem:s3], [sflag:s2] =	dma.local @!p0 [hbm:s0], s1  }
0x468: {  	s0 =	simm.s32 @!p0 $0x3  }
0x469: {  	_ =	swait.ge @!p0 [sflag:s0], s1  }
0x46a: {  	s1 =	ssub.s32 @!p0 $0x0, s1;
	[sflag:s0] =	ssyncset.done @!p0 $0x0  }
0x46b: {  	[sflag:s0] =	ssyncadd.s32 @!p0 s1  }
0x46c: {  	[bflag:$0x3] =	sbarrier.arrive $0xFFFF  }
0x46d: {  	_ =	shalt  }

</sc_bundles>
